<compile_context>
chip_gen: v7x
topology: tpu7x:2x2x1
jax: 0.10.2.dev20260603
libtpu: 0.0.44.dev20260713+nightly
codegen_flags: <defaults>
</compile_context>

<pallas_src>
import functools

import jax
import jax.numpy as jnp
from jax import lax
from jax.experimental import pallas as pl
from jax.experimental.pallas import tpu as pltpu
from jax.experimental.pallas import tpu_sc as plsc

N = 10000
D = 128
E = 320000
ACC_W = 144
NC = 2
NS = 16
NW = NC * NS
EDGES_PER_TILE = E // NW
CHUNK = 80
NCHUNK = EDGES_PER_TILE // CHUNK
ROWS_PER_TILE = N // NS
ZROWS = 125
RBLK = 1000



def _dense_body(x_ref, w_ref, as_ref, ad_ref, h_ref, asr_ref, adr_ref,
                mxs_ref, mxd_ref):
    h = lax.dot_general(x_ref[...], w_ref[...], (((1,), (1,)), ((), ())),
                        preferred_element_type=jnp.float32)
    h_ref[...] = h
    a_s = jnp.sum(h * as_ref[...], axis=1, keepdims=True)
    a_d = jnp.sum(h * ad_ref[...], axis=1, keepdims=True)
    asr_ref[...] = a_s
    adr_ref[...] = a_d

    @pl.when(pl.program_id(0) == 0)
    def _init():
        mxs_ref[...] = jnp.full((1, 1), -jnp.inf, jnp.float32)
        mxd_ref[...] = jnp.full((1, 1), -jnp.inf, jnp.float32)

    mxs_ref[...] = jnp.maximum(mxs_ref[...], jnp.full((1, 1), jnp.max(a_s)))
    mxd_ref[...] = jnp.maximum(mxd_ref[...], jnp.full((1, 1), jnp.max(a_d)))


_dense = pl.pallas_call(
    _dense_body,
    grid=(N // RBLK,),
    in_specs=[
        pl.BlockSpec((RBLK, D), lambda i: (i, 0)),
        pl.BlockSpec((D, D), lambda i: (0, 0)),
        pl.BlockSpec((1, D), lambda i: (0, 0)),
        pl.BlockSpec((1, D), lambda i: (0, 0)),
    ],
    out_specs=[
        pl.BlockSpec((RBLK, D), lambda i: (i, 0)),
        pl.BlockSpec((RBLK, 1), lambda i: (i, 0)),
        pl.BlockSpec((RBLK, 1), lambda i: (i, 0)),
        pl.BlockSpec((1, 1), lambda i: (0, 0)),
        pl.BlockSpec((1, 1), lambda i: (0, 0)),
    ],
    out_shape=[
        jax.ShapeDtypeStruct((N, D), jnp.float32),
        jax.ShapeDtypeStruct((N, 1), jnp.float32),
        jax.ShapeDtypeStruct((N, 1), jnp.float32),
        jax.ShapeDtypeStruct((1, 1), jnp.float32),
        jax.ShapeDtypeStruct((1, 1), jnp.float32),
    ],
)


_mesh = plsc.VectorSubcoreMesh(core_axis_name="c", subcore_axis_name="s")


@functools.partial(
    pl.kernel,
    mesh=_mesh,
    compiler_params=pltpu.CompilerParams(
        use_tc_tiling_on_sc=False, needs_layout_passes=False),
    out_type=jax.ShapeDtypeStruct((NC, N, ACC_W), jnp.float32),
    scratch_types=[
        pltpu.VMEM((16,), jnp.float32),
        pltpu.VMEM((CHUNK,), jnp.int32),
        pltpu.VMEM((CHUNK,), jnp.int32),
        pltpu.VMEM((CHUNK,), jnp.float32),
        pltpu.VMEM((CHUNK,), jnp.float32),
        pltpu.VMEM((CHUNK, D), jnp.float32),
        pltpu.VMEM((CHUNK, ACC_W), jnp.float32),
        pltpu.VMEM((CHUNK + 16,), jnp.float32),
        pltpu.VMEM_SHARED((N,), jnp.float32),
        pltpu.VMEM_SHARED((N,), jnp.float32),
        pltpu.VMEM_SHARED((N, ACC_W), jnp.float32),
        pltpu.SemaphoreType.DMA,
        pltpu.SemaphoreType.DMA,
    ],
)
def _edge_kernel(src_hbm, dst_hbm, asrc_hbm, adst_hbm, h_hbm, c_hbm, out_hbm,
                 c_v, src_v, dst_v, asv_v, adv_v, rows_v, wrows_v, w_v,
                 asrc_sh, adst_sh, acc, sem, sem2):
    cid = lax.axis_index("c")
    sid = lax.axis_index("s")
    wid = sid * NC + cid

    pltpu.sync_copy(c_hbm, c_v)
    cvec = c_v[...]

    @pl.when(sid == 0)
    def _stage():
        pltpu.sync_copy(asrc_hbm, asrc_sh)
        pltpu.sync_copy(adst_hbm, adst_sh)

    zv = jnp.zeros((16,), jnp.float32)

    def zrow(r, carry):
        for g in range(ACC_W // 16):
            wrows_v[r, pl.ds(g * 16, 16)] = zv
        return carry

    lax.fori_loop(0, CHUNK, zrow, 0)
    rbase = sid * ROWS_PER_TILE
    for piece in range(ROWS_PER_TILE // CHUNK):
        pltpu.sync_copy(wrows_v, acc.at[pl.ds(rbase + piece * CHUNK, CHUNK)])
    ztail = ROWS_PER_TILE % CHUNK
    if ztail:
        pltpu.sync_copy(
            wrows_v.at[pl.ds(0, ztail)],
            acc.at[pl.ds(rbase + (ROWS_PER_TILE // CHUNK) * CHUNK, ztail)])
    plsc.subcore_barrier()

    lane0 = jnp.where(lax.iota(jnp.int32, 16) == 0, 1.0, 0.0)
    ebase = wid * EDGES_PER_TILE

    def chunk(ci, carry):
        base = ebase + ci * CHUNK
        pltpu.sync_copy(src_hbm.at[pl.ds(base, CHUNK)], src_v)
        pltpu.sync_copy(dst_hbm.at[pl.ds(base, CHUNK)], dst_v)
        hcp = pltpu.async_copy(h_hbm.at[src_v], rows_v, sem)
        acp = pltpu.async_copy(asrc_sh.at[src_v], asv_v, sem2)
        bcp = pltpu.async_copy(adst_sh.at[dst_v], adv_v, sem2)
        acp.wait()
        bcp.wait()
        for g in range(CHUNK // 16):
            e = asv_v[pl.ds(g * 16, 16)] + adv_v[pl.ds(g * 16, 16)]
            e = jnp.where(e >= 0.0, e, 0.2 * e) - cvec
            w_v[pl.ds(g * 16, 16)] = jnp.exp(e)
        hcp.wait()

        def edge(ei, c2):
            wvec = w_v[pl.ds(ei, 16)]
            w = jnp.full((16,), wvec[0], jnp.float32)
            for g in range(D // 16):
                wrows_v[ei, pl.ds(g * 16, 16)] = rows_v[ei, pl.ds(g * 16, 16)] * w
            wrows_v[ei, pl.ds(D, 16)] = w * lane0
            return c2

        lax.fori_loop(0, CHUNK, edge, 0)
        pltpu.sync_copy(wrows_v, acc.at[dst_v], add=True)
        return carry

    lax.fori_loop(0, NCHUNK, chunk, 0)
    plsc.subcore_barrier()

    pltpu.sync_copy(
        acc.at[pl.ds(rbase, ROWS_PER_TILE)],
        out_hbm.at[cid, pl.ds(rbase, ROWS_PER_TILE)])




def _finalize_body(part_ref, h_ref, asr_ref, adr_ref, c_ref, bias_ref,
                   out_ref, ssum_ref, ssq_ref):
    c = c_ref[0, 0]
    acc = part_ref[0] + part_ref[1]
    num = acc[:, :D]
    den = acc[:, D:D + 1]
    s = asr_ref[...] + adr_ref[...]
    e = jnp.where(s >= 0.0, s, 0.2 * s) - c
    wself = jnp.exp(e)
    num = num + wself * h_ref[...]
    den = den + wself
    o = num / (den + 1e-16) + bias_ref[...]
    out_ref[...] = o

    @pl.when(pl.program_id(0) == 0)
    def _init():
        ssum_ref[...] = jnp.zeros((1, D), jnp.float32)
        ssq_ref[...] = jnp.zeros((1, D), jnp.float32)

    ssum_ref[...] += jnp.sum(o, axis=0, keepdims=True)
    ssq_ref[...] += jnp.sum(o * o, axis=0, keepdims=True)


_finalize = pl.pallas_call(
    _finalize_body,
    grid=(N // RBLK,),
    in_specs=[
        pl.BlockSpec((NC, RBLK, ACC_W), lambda i: (0, i, 0)),
        pl.BlockSpec((RBLK, D), lambda i: (i, 0)),
        pl.BlockSpec((RBLK, 1), lambda i: (i, 0)),
        pl.BlockSpec((RBLK, 1), lambda i: (i, 0)),
        pl.BlockSpec(memory_space=pltpu.SMEM),
        pl.BlockSpec((1, D), lambda i: (0, 0)),
    ],
    out_specs=[
        pl.BlockSpec((RBLK, D), lambda i: (i, 0)),
        pl.BlockSpec((1, D), lambda i: (0, 0)),
        pl.BlockSpec((1, D), lambda i: (0, 0)),
    ],
    out_shape=[
        jax.ShapeDtypeStruct((N, D), jnp.float32),
        jax.ShapeDtypeStruct((1, D), jnp.float32),
        jax.ShapeDtypeStruct((1, D), jnp.float32),
    ],
)


def _norm_body(xp_ref, ssum_ref, ssq_ref, g_ref, b_ref, o_ref):
    mu = ssum_ref[...] * (1.0 / N)
    var = ssq_ref[...] * (1.0 / N) - mu * mu
    scale = g_ref[...] * lax.rsqrt(var + 1e-5)
    o_ref[...] = (xp_ref[...] - mu) * scale + b_ref[...]


_normalize = pl.pallas_call(
    _norm_body,
    grid=(N // RBLK,),
    in_specs=[
        pl.BlockSpec((RBLK, D), lambda i: (i, 0)),
        pl.BlockSpec((1, D), lambda i: (0, 0)),
        pl.BlockSpec((1, D), lambda i: (0, 0)),
        pl.BlockSpec((1, D), lambda i: (0, 0)),
        pl.BlockSpec((1, D), lambda i: (0, 0)),
    ],
    out_specs=pl.BlockSpec((RBLK, D), lambda i: (i, 0)),
    out_shape=jax.ShapeDtypeStruct((N, D), jnp.float32),
)



def kernel(x, edge_index, W, att_src, att_dst, bias, gamma, beta):
    src = edge_index[0].astype(jnp.int32)
    dst = edge_index[1].astype(jnp.int32)
    h, asr, adr, mxs, mxd = _dense(
        x, W, att_src.reshape(1, D), att_dst.reshape(1, D))
    s = mxs[0, 0] + mxd[0, 0]
    c = jnp.where(s >= 0.0, s, 0.2 * s)
    cvec = jnp.full((16,), c, jnp.float32)
    part = _edge_kernel(src, dst, asr.reshape(N), adr.reshape(N), h, cvec)
    out_pre, ssum, ssq = _finalize(
        part, h, asr, adr, c.reshape(1, 1), bias.reshape(1, D))
    return _normalize(out_pre, ssum, ssq, gamma.reshape(1, D),
                      beta.reshape(1, D))

# --- scband reference (transcript-rebuilt; emitter-appended) ---
"""Pipeline reference for scband-meta-gat-53017076302393 (READ-ONLY COPY).

The authoritative reference and input builder live on the scoring server;
editing this copy changes nothing except your own understanding.
"""

import jax, jax.numpy as jnp
import numpy as np

N_NODES = 10000
IN_DIM = 128
OUT_DIM = 128
N_EDGES = 320000


def setup_inputs(seed: int = 0) -> dict:
    key = jax.random.key(seed)
    ks = jax.random.split(key, 8)
    x = jax.random.normal(ks[0], (N_NODES, IN_DIM), dtype=jnp.float32)
    edge_index = jax.random.randint(ks[1], (2, N_EDGES), 0, N_NODES, dtype=jnp.int64)
    # GATConv params (num_layers=1 -> single layer, heads=1, concat=False)
    W = jax.random.normal(ks[2], (OUT_DIM, IN_DIM), dtype=jnp.float32) * (1.0 / np.sqrt(IN_DIM))
    att_src = jax.random.normal(ks[3], (OUT_DIM,), dtype=jnp.float32) * (1.0 / np.sqrt(OUT_DIM))
    att_dst = jax.random.normal(ks[4], (OUT_DIM,), dtype=jnp.float32) * (1.0 / np.sqrt(OUT_DIM))
    bias = jnp.zeros((OUT_DIM,), dtype=jnp.float32)
    # BatchNorm1d params
    gamma = jnp.ones((OUT_DIM,), dtype=jnp.float32)
    beta = jnp.zeros((OUT_DIM,), dtype=jnp.float32)
    return {"x": x, "edge_index": edge_index, "W": W, "att_src": att_src, "att_dst": att_dst, "bias": bias, "gamma": gamma, "beta": beta}


def _gat_conv(x, src, dst, W, att_src, att_dst, bias, num_nodes):
    h = x @ W.T  # [N, out_dim]
    a_src = h @ att_src  # [N]
    a_dst = h @ att_dst  # [N]
    e = a_src[src] + a_dst[dst]  # [E]
    e = jax.nn.leaky_relu(e, negative_slope=0.2)
    # softmax over incoming edges of each dst node
    m = jax.ops.segment_max(e, dst, num_segments=num_nodes)
    ex = jnp.exp(e - m[dst])
    denom = jax.ops.segment_sum(ex, dst, num_segments=num_nodes)
    alpha = ex / (denom[dst] + 1e-16)
    out = jax.ops.segment_sum(h[src] * alpha[:, None], dst, num_segments=num_nodes)
    return out + bias


def _batch_norm(x, gamma, beta, eps=1e-5):
    mu = jnp.mean(x, axis=0)
    var = jnp.var(x, axis=0)
    return gamma * (x - mu) / jnp.sqrt(var + eps) + beta


def reference(x, edge_index, W, att_src, att_dst, bias, gamma, beta):
    num_nodes = x.shape[0]
    # PyG GATConv default add_self_loops=True
    loop = jnp.arange(num_nodes, dtype=edge_index.dtype)
    src = jnp.concatenate([edge_index[0], loop])
    dst = jnp.concatenate([edge_index[1], loop])
    out = _gat_conv(x, src, dst, W, att_src, att_dst, bias, num_nodes)
    out = _batch_norm(out, gamma, beta)
    # single layer (num_layers=1) -> last layer, no ELU
    return out

if __name__ == "__main__":
    import jax
    _d = setup_inputs()
    print(jax.jit(kernel)(*tuple(_d.values())))

</pallas_src>

<mosaic_0001>
#map = affine_map<(d0, d1) -> (0)>
#map1 = affine_map<(d0, d1) -> (0, 0)>
#map2 = affine_map<(d0, d1) -> (0, 0, 0)>
module attributes {stable_mosaic.version = 14 : i64} {
  func.func @_edge_kernel(%arg0: i32, %arg1: i32, %arg2: memref<320000xi32, #tpu.memory_space<hbm>>, %arg3: memref<320000xi32, #tpu.memory_space<hbm>>, %arg4: memref<10000xf32, #tpu.memory_space<hbm>>, %arg5: memref<10000xf32, #tpu.memory_space<hbm>>, %arg6: memref<10000x128xf32, #tpu.memory_space<hbm>>, %arg7: memref<16xf32, #tpu.memory_space<hbm>>, %arg8: memref<2x10000x144xf32, #tpu.memory_space<hbm>>, %arg9: memref<16xf32, #tpu.memory_space<vmem>>, %arg10: memref<80xi32, #tpu.memory_space<vmem>>, %arg11: memref<80xi32, #tpu.memory_space<vmem>>, %arg12: memref<80xf32, #tpu.memory_space<vmem>>, %arg13: memref<80xf32, #tpu.memory_space<vmem>>, %arg14: memref<80x128xf32, #tpu.memory_space<vmem>>, %arg15: memref<80x144xf32, #tpu.memory_space<vmem>>, %arg16: memref<96xf32, #tpu.memory_space<vmem>>, %arg17: memref<10000xf32, #tpu.memory_space<vmem_shared>>, %arg18: memref<10000xf32, #tpu.memory_space<vmem_shared>>, %arg19: memref<10000x144xf32, #tpu.memory_space<vmem_shared>>, %arg20: memref<!tpu.dma_semaphore, #tpu.memory_space<semaphore_mem>>, %arg21: memref<!tpu.dma_semaphore, #tpu.memory_space<semaphore_mem>>) attributes {dimension_semantics = [#tpu.dimension_semantics<core_parallel>, #tpu.dimension_semantics<subcore_parallel>], iteration_bounds = array<i64: 2, 16>, scalar_prefetch = 0 : i64, scratch_operands = 13 : i64, tpu.core_type = #tpu.core_type<sc_vector_subcore>, window_params = [{transform_indices = #map}, {transform_indices = #map}, {transform_indices = #map}, {transform_indices = #map}, {transform_indices = #map1}, {transform_indices = #map}, {transform_indices = #map2}]} {
    %mul3A = arith.constant 2 : i32
    %mul3A_0 = arith.muli %arg1, %mul3A : i32
    %add3A = arith.addi %mul3A_0, %arg0 : i32
    "tpu.region"() ({
      %run_scoped3A = tpu.sem_alloc : memref<!tpu.dma_semaphore, #tpu.memory_space<semaphore_mem>>
      tpu.enqueue_dma source(%arg7 : memref<16xf32, #tpu.memory_space<hbm>>) target(%arg9 : memref<16xf32, #tpu.memory_space<vmem>>) target_semaphore(%run_scoped3A : memref<!tpu.dma_semaphore, #tpu.memory_space<semaphore_mem>>)
      tpu.wait_dma2 semaphore(%run_scoped3A : memref<!tpu.dma_semaphore, #tpu.memory_space<semaphore_mem>>) src(%arg7 : memref<16xf32, #tpu.memory_space<hbm>>) dst(%arg9 : memref<16xf32, #tpu.memory_space<vmem>>)
      tpu.yield
    }) : () -> ()
    %get3A = arith.constant 0 : index
    %get3A_1 = tpu.vector_load %arg9[%get3A] {strides = array<i32>} : memref<16xf32, #tpu.memory_space<vmem>>, vector<16xf32>,
    %eq3A = arith.constant 0 : i32
    %eq3A_2 = arith.cmpi eq, %arg1, %eq3A : i32
    %convert_element_type3A = arith.extui %eq3A_2 : i1 to i32
    %cond3A = arith.constant 0 : i32
    %cond3A_3 = arith.cmpi ne, %convert_element_type3A, %cond3A : i32
    scf.if %cond3A_3 {
      "tpu.region"() ({
        %run_scoped3A = tpu.sem_alloc : memref<!tpu.dma_semaphore, #tpu.memory_space<semaphore_mem>>
        tpu.enqueue_dma source(%arg4 : memref<10000xf32, #tpu.memory_space<hbm>>) target(%arg17 : memref<10000xf32, #tpu.memory_space<vmem_shared>>) target_semaphore(%run_scoped3A : memref<!tpu.dma_semaphore, #tpu.memory_space<semaphore_mem>>)
        tpu.wait_dma2 semaphore(%run_scoped3A : memref<!tpu.dma_semaphore, #tpu.memory_space<semaphore_mem>>) src(%arg4 : memref<10000xf32, #tpu.memory_space<hbm>>) dst(%arg17 : memref<10000xf32, #tpu.memory_space<vmem_shared>>)
        tpu.yield
      }) : () -> ()
      "tpu.region"() ({
        %run_scoped3A = tpu.sem_alloc : memref<!tpu.dma_semaphore, #tpu.memory_space<semaphore_mem>>
        tpu.enqueue_dma source(%arg5 : memref<10000xf32, #tpu.memory_space<hbm>>) target(%arg18 : memref<10000xf32, #tpu.memory_space<vmem_shared>>) target_semaphore(%run_scoped3A : memref<!tpu.dma_semaphore, #tpu.memory_space<semaphore_mem>>)
        tpu.wait_dma2 semaphore(%run_scoped3A : memref<!tpu.dma_semaphore, #tpu.memory_space<semaphore_mem>>) src(%arg5 : memref<10000xf32, #tpu.memory_space<hbm>>) dst(%arg18 : memref<10000xf32, #tpu.memory_space<vmem_shared>>)
        tpu.yield
      }) : () -> ()
    } else {
    }
    %broadcast_in_dim3A = arith.constant 0.000000e+00 : f32
    %broadcast_in_dim3A_4 = vector.broadcast %broadcast_in_dim3A : f32 to vector<16xf32>
    %scan3A = arith.constant 0 : i32
    %scan3A_5 = arith.constant 0 : i32
    %scan3A_6 = arith.constant 80 : i32
    %scan3A_7 = arith.addi %scan3A_5, %scan3A_6 : i32
    %scan3A_8 = arith.constant 1 : i32
    scf.for %scan3A_43 = %scan3A_5 to %scan3A_7 step %scan3A_8  : i32 {
      %swap3A = arith.index_cast %scan3A_43 : i32 to index
      %swap3A_44 = arith.constant 0 : index
      %swap3A_45 = tpu.vector_load %arg15[%swap3A, %swap3A_44] {strides = array<i32>} : memref<80x144xf32, #tpu.memory_space<vmem>>, vector<16xf32>,
      tpu.vector_store %arg15[%swap3A, %swap3A_44], %broadcast_in_dim3A_4 {strides = array<i32>} : memref<80x144xf32, #tpu.memory_space<vmem>>, vector<16xf32>,
      %swap3A_46 = arith.index_cast %scan3A_43 : i32 to index
      %swap3A_47 = arith.constant 16 : index
      %swap3A_48 = tpu.vector_load %arg15[%swap3A_46, %swap3A_47] {strides = array<i32>} : memref<80x144xf32, #tpu.memory_space<vmem>>, vector<16xf32>,
      tpu.vector_store %arg15[%swap3A_46, %swap3A_47], %broadcast_in_dim3A_4 {strides = array<i32>} : memref<80x144xf32, #tpu.memory_space<vmem>>, vector<16xf32>,
      %swap3A_49 = arith.index_cast %scan3A_43 : i32 to index
      %swap3A_50 = arith.constant 32 : index
      %swap3A_51 = tpu.vector_load %arg15[%swap3A_49, %swap3A_50] {strides = array<i32>} : memref<80x144xf32, #tpu.memory_space<vmem>>, vector<16xf32>,
      tpu.vector_store %arg15[%swap3A_49, %swap3A_50], %broadcast_in_dim3A_4 {strides = array<i32>} : memref<80x144xf32, #tpu.memory_space<vmem>>, vector<16xf32>,
      %swap3A_52 = arith.index_cast %scan3A_43 : i32 to index
      %swap3A_53 = arith.constant 48 : index
      %swap3A_54 = tpu.vector_load %arg15[%swap3A_52, %swap3A_53] {strides = array<i32>} : memref<80x144xf32, #tpu.memory_space<vmem>>, vector<16xf32>,
      tpu.vector_store %arg15[%swap3A_52, %swap3A_53], %broadcast_in_dim3A_4 {strides = array<i32>} : memref<80x144xf32, #tpu.memory_space<vmem>>, vector<16xf32>,
      %swap3A_55 = arith.index_cast %scan3A_43 : i32 to index
      %swap3A_56 = arith.constant 64 : index
      %swap3A_57 = tpu.vector_load %arg15[%swap3A_55, %swap3A_56] {strides = array<i32>} : memref<80x144xf32, #tpu.memory_space<vmem>>, vector<16xf32>,
      tpu.vector_store %arg15[%swap3A_55, %swap3A_56], %broadcast_in_dim3A_4 {strides = array<i32>} : memref<80x144xf32, #tpu.memory_space<vmem>>, vector<16xf32>,
      %swap3A_58 = arith.index_cast %scan3A_43 : i32 to index
      %swap3A_59 = arith.constant 80 : index
      %swap3A_60 = tpu.vector_load %arg15[%swap3A_58, %swap3A_59] {strides = array<i32>} : memref<80x144xf32, #tpu.memory_space<vmem>>, vector<16xf32>,
      tpu.vector_store %arg15[%swap3A_58, %swap3A_59], %broadcast_in_dim3A_4 {strides = array<i32>} : memref<80x144xf32, #tpu.memory_space<vmem>>, vector<16xf32>,
      %swap3A_61 = arith.index_cast %scan3A_43 : i32 to index
      %swap3A_62 = arith.constant 96 : index
      %swap3A_63 = tpu.vector_load %arg15[%swap3A_61, %swap3A_62] {strides = array<i32>} : memref<80x144xf32, #tpu.memory_space<vmem>>, vector<16xf32>,
      tpu.vector_store %arg15[%swap3A_61, %swap3A_62], %broadcast_in_dim3A_4 {strides = array<i32>} : memref<80x144xf32, #tpu.memory_space<vmem>>, vector<16xf32>,
      %swap3A_64 = arith.index_cast %scan3A_43 : i32 to index
      %swap3A_65 = arith.constant 112 : index
      %swap3A_66 = tpu.vector_load %arg15[%swap3A_64, %swap3A_65] {strides = array<i32>} : memref<80x144xf32, #tpu.memory_space<vmem>>, vector<16xf32>,
      tpu.vector_store %arg15[%swap3A_64, %swap3A_65], %broadcast_in_dim3A_4 {strides = array<i32>} : memref<80x144xf32, #tpu.memory_space<vmem>>, vector<16xf32>,
      %swap3A_67 = arith.index_cast %scan3A_43 : i32 to index
      %swap3A_68 = arith.constant 128 : index
      %swap3A_69 = tpu.vector_load %arg15[%swap3A_67, %swap3A_68] {strides = array<i32>} : memref<80x144xf32, #tpu.memory_space<vmem>>, vector<16xf32>,
      tpu.vector_store %arg15[%swap3A_67, %swap3A_68], %broadcast_in_dim3A_4 {strides = array<i32>} : memref<80x144xf32, #tpu.memory_space<vmem>>, vector<16xf32>,
    }
    %scan3A_9 = arith.constant 80 : i32
    %mul3A_10 = arith.constant 625 : i32
    %mul3A_11 = arith.muli %arg1, %mul3A_10 : i32
    %add3A_12 = arith.constant 0 : i32
    %add3A_13 = arith.addi %mul3A_11, %add3A_12 : i32
    "tpu.region"() ({
      %run_scoped3A = tpu.sem_alloc : memref<!tpu.dma_semaphore, #tpu.memory_space<semaphore_mem>>
      %dma_start3A = arith.constant 0 : i32
      %dma_start3A_43 = tpu.memref_slice %arg19[%add3A_13, %dma_start3A] : memref<10000x144xf32, #tpu.memory_space<vmem_shared>> -> memref<80x144xf32, #tpu.memory_space<vmem_shared>>
      %dma_start3A_44 = arith.constant 0 : i32
      %dma_start3A_45 = tpu.memref_slice %arg19[%add3A_13, %dma_start3A_44] : memref<10000x144xf32, #tpu.memory_space<vmem_shared>> -> memref<80x144xf32, #tpu.memory_space<vmem_shared>>
      tpu.enqueue_dma source(%arg15 : memref<80x144xf32, #tpu.memory_space<vmem>>) target(%dma_start3A_45 : memref<80x144xf32, #tpu.memory_space<vmem_shared>>) target_semaphore(%run_scoped3A : memref<!tpu.dma_semaphore, #tpu.memory_space<semaphore_mem>>)
      %dma_wait3A = arith.constant 0 : i32
      %dma_wait3A_46 = tpu.memref_slice %arg19[%add3A_13, %dma_wait3A] : memref<10000x144xf32, #tpu.memory_space<vmem_shared>> -> memref<80x144xf32, #tpu.memory_space<vmem_shared>>
      %dma_wait3A_47 = arith.constant 0 : i32
      %dma_wait3A_48 = tpu.memref_slice %arg19[%add3A_13, %dma_wait3A_47] : memref<10000x144xf32, #tpu.memory_space<vmem_shared>> -> memref<80x144xf32, #tpu.memory_space<vmem_shared>>
      tpu.wait_dma2 semaphore(%run_scoped3A : memref<!tpu.dma_semaphore, #tpu.memory_space<semaphore_mem>>) src(%arg15 : memref<80x144xf32, #tpu.memory_space<vmem>>) dst(%dma_wait3A_48 : memref<80x144xf32, #tpu.memory_space<vmem_shared>>)
      tpu.yield
    }) : () -> ()
    %add3A_14 = arith.constant 80 : i32
    %add3A_15 = arith.addi %mul3A_11, %add3A_14 : i32
    "tpu.region"() ({
      %run_scoped3A = tpu.sem_alloc : memref<!tpu.dma_semaphore, #tpu.memory_space<semaphore_mem>>
      %dma_start3A = arith.constant 0 : i32
      %dma_start3A_43 = tpu.memref_slice %arg19[%add3A_15, %dma_start3A] : memref<10000x144xf32, #tpu.memory_space<vmem_shared>> -> memref<80x144xf32, #tpu.memory_space<vmem_shared>>
      %dma_start3A_44 = arith.constant 0 : i32
      %dma_start3A_45 = tpu.memref_slice %arg19[%add3A_15, %dma_start3A_44] : memref<10000x144xf32, #tpu.memory_space<vmem_shared>> -> memref<80x144xf32, #tpu.memory_space<vmem_shared>>
      tpu.enqueue_dma source(%arg15 : memref<80x144xf32, #tpu.memory_space<vmem>>) target(%dma_start3A_45 : memref<80x144xf32, #tpu.memory_space<vmem_shared>>) target_semaphore(%run_scoped3A : memref<!tpu.dma_semaphore, #tpu.memory_space<semaphore_mem>>)
      %dma_wait3A = arith.constant 0 : i32
      %dma_wait3A_46 = tpu.memref_slice %arg19[%add3A_15, %dma_wait3A] : memref<10000x144xf32, #tpu.memory_space<vmem_shared>> -> memref<80x144xf32, #tpu.memory_space<vmem_shared>>
      %dma_wait3A_47 = arith.constant 0 : i32
      %dma_wait3A_48 = tpu.memref_slice %arg19[%add3A_15, %dma_wait3A_47] : memref<10000x144xf32, #tpu.memory_space<vmem_shared>> -> memref<80x144xf32, #tpu.memory_space<vmem_shared>>
      tpu.wait_dma2 semaphore(%run_scoped3A : memref<!tpu.dma_semaphore, #tpu.memory_space<semaphore_mem>>) src(%arg15 : memref<80x144xf32, #tpu.memory_space<vmem>>) dst(%dma_wait3A_48 : memref<80x144xf32, #tpu.memory_space<vmem_shared>>)
      tpu.yield
    }) : () -> ()
    %add3A_16 = arith.constant 160 : i32
    %add3A_17 = arith.addi %mul3A_11, %add3A_16 : i32
    "tpu.region"() ({
      %run_scoped3A = tpu.sem_alloc : memref<!tpu.dma_semaphore, #tpu.memory_space<semaphore_mem>>
      %dma_start3A = arith.constant 0 : i32
      %dma_start3A_43 = tpu.memref_slice %arg19[%add3A_17, %dma_start3A] : memref<10000x144xf32, #tpu.memory_space<vmem_shared>> -> memref<80x144xf32, #tpu.memory_space<vmem_shared>>
      %dma_start3A_44 = arith.constant 0 : i32
      %dma_start3A_45 = tpu.memref_slice %arg19[%add3A_17, %dma_start3A_44] : memref<10000x144xf32, #tpu.memory_space<vmem_shared>> -> memref<80x144xf32, #tpu.memory_space<vmem_shared>>
      tpu.enqueue_dma source(%arg15 : memref<80x144xf32, #tpu.memory_space<vmem>>) target(%dma_start3A_45 : memref<80x144xf32, #tpu.memory_space<vmem_shared>>) target_semaphore(%run_scoped3A : memref<!tpu.dma_semaphore, #tpu.memory_space<semaphore_mem>>)
      %dma_wait3A = arith.constant 0 : i32
      %dma_wait3A_46 = tpu.memref_slice %arg19[%add3A_17, %dma_wait3A] : memref<10000x144xf32, #tpu.memory_space<vmem_shared>> -> memref<80x144xf32, #tpu.memory_space<vmem_shared>>
      %dma_wait3A_47 = arith.constant 0 : i32
      %dma_wait3A_48 = tpu.memref_slice %arg19[%add3A_17, %dma_wait3A_47] : memref<10000x144xf32, #tpu.memory_space<vmem_shared>> -> memref<80x144xf32, #tpu.memory_space<vmem_shared>>
      tpu.wait_dma2 semaphore(%run_scoped3A : memref<!tpu.dma_semaphore, #tpu.memory_space<semaphore_mem>>) src(%arg15 : memref<80x144xf32, #tpu.memory_space<vmem>>) dst(%dma_wait3A_48 : memref<80x144xf32, #tpu.memory_space<vmem_shared>>)
      tpu.yield
    }) : () -> ()
    %add3A_18 = arith.constant 240 : i32
    %add3A_19 = arith.addi %mul3A_11, %add3A_18 : i32
    "tpu.region"() ({
      %run_scoped3A = tpu.sem_alloc : memref<!tpu.dma_semaphore, #tpu.memory_space<semaphore_mem>>
      %dma_start3A = arith.constant 0 : i32
      %dma_start3A_43 = tpu.memref_slice %arg19[%add3A_19, %dma_start3A] : memref<10000x144xf32, #tpu.memory_space<vmem_shared>> -> memref<80x144xf32, #tpu.memory_space<vmem_shared>>
      %dma_start3A_44 = arith.constant 0 : i32
      %dma_start3A_45 = tpu.memref_slice %arg19[%add3A_19, %dma_start3A_44] : memref<10000x144xf32, #tpu.memory_space<vmem_shared>> -> memref<80x144xf32, #tpu.memory_space<vmem_shared>>
      tpu.enqueue_dma source(%arg15 : memref<80x144xf32, #tpu.memory_space<vmem>>) target(%dma_start3A_45 : memref<80x144xf32, #tpu.memory_space<vmem_shared>>) target_semaphore(%run_scoped3A : memref<!tpu.dma_semaphore, #tpu.memory_space<semaphore_mem>>)
      %dma_wait3A = arith.constant 0 : i32
      %dma_wait3A_46 = tpu.memref_slice %arg19[%add3A_19, %dma_wait3A] : memref<10000x144xf32, #tpu.memory_space<vmem_shared>> -> memref<80x144xf32, #tpu.memory_space<vmem_shared>>
      %dma_wait3A_47 = arith.constant 0 : i32
      %dma_wait3A_48 = tpu.memref_slice %arg19[%add3A_19, %dma_wait3A_47] : memref<10000x144xf32, #tpu.memory_space<vmem_shared>> -> memref<80x144xf32, #tpu.memory_space<vmem_shared>>
      tpu.wait_dma2 semaphore(%run_scoped3A : memref<!tpu.dma_semaphore, #tpu.memory_space<semaphore_mem>>) src(%arg15 : memref<80x144xf32, #tpu.memory_space<vmem>>) dst(%dma_wait3A_48 : memref<80x144xf32, #tpu.memory_space<vmem_shared>>)
      tpu.yield
    }) : () -> ()
    %add3A_20 = arith.constant 320 : i32
    %add3A_21 = arith.addi %mul3A_11, %add3A_20 : i32
    "tpu.region"() ({
      %run_scoped3A = tpu.sem_alloc : memref<!tpu.dma_semaphore, #tpu.memory_space<semaphore_mem>>
      %dma_start3A = arith.constant 0 : i32
      %dma_start3A_43 = tpu.memref_slice %arg19[%add3A_21, %dma_start3A] : memref<10000x144xf32, #tpu.memory_space<vmem_shared>> -> memref<80x144xf32, #tpu.memory_space<vmem_shared>>
      %dma_start3A_44 = arith.constant 0 : i32
      %dma_start3A_45 = tpu.memref_slice %arg19[%add3A_21, %dma_start3A_44] : memref<10000x144xf32, #tpu.memory_space<vmem_shared>> -> memref<80x144xf32, #tpu.memory_space<vmem_shared>>
      tpu.enqueue_dma source(%arg15 : memref<80x144xf32, #tpu.memory_space<vmem>>) target(%dma_start3A_45 : memref<80x144xf32, #tpu.memory_space<vmem_shared>>) target_semaphore(%run_scoped3A : memref<!tpu.dma_semaphore, #tpu.memory_space<semaphore_mem>>)
      %dma_wait3A = arith.constant 0 : i32
      %dma_wait3A_46 = tpu.memref_slice %arg19[%add3A_21, %dma_wait3A] : memref<10000x144xf32, #tpu.memory_space<vmem_shared>> -> memref<80x144xf32, #tpu.memory_space<vmem_shared>>
      %dma_wait3A_47 = arith.constant 0 : i32
      %dma_wait3A_48 = tpu.memref_slice %arg19[%add3A_21, %dma_wait3A_47] : memref<10000x144xf32, #tpu.memory_space<vmem_shared>> -> memref<80x144xf32, #tpu.memory_space<vmem_shared>>
      tpu.wait_dma2 semaphore(%run_scoped3A : memref<!tpu.dma_semaphore, #tpu.memory_space<semaphore_mem>>) src(%arg15 : memref<80x144xf32, #tpu.memory_space<vmem>>) dst(%dma_wait3A_48 : memref<80x144xf32, #tpu.memory_space<vmem_shared>>)
      tpu.yield
    }) : () -> ()
    %add3A_22 = arith.constant 400 : i32
    %add3A_23 = arith.addi %mul3A_11, %add3A_22 : i32
    "tpu.region"() ({
      %run_scoped3A = tpu.sem_alloc : memref<!tpu.dma_semaphore, #tpu.memory_space<semaphore_mem>>
      %dma_start3A = arith.constant 0 : i32
      %dma_start3A_43 = tpu.memref_slice %arg19[%add3A_23, %dma_start3A] : memref<10000x144xf32, #tpu.memory_space<vmem_shared>> -> memref<80x144xf32, #tpu.memory_space<vmem_shared>>
      %dma_start3A_44 = arith.constant 0 : i32
      %dma_start3A_45 = tpu.memref_slice %arg19[%add3A_23, %dma_start3A_44] : memref<10000x144xf32, #tpu.memory_space<vmem_shared>> -> memref<80x144xf32, #tpu.memory_space<vmem_shared>>
      tpu.enqueue_dma source(%arg15 : memref<80x144xf32, #tpu.memory_space<vmem>>) target(%dma_start3A_45 : memref<80x144xf32, #tpu.memory_space<vmem_shared>>) target_semaphore(%run_scoped3A : memref<!tpu.dma_semaphore, #tpu.memory_space<semaphore_mem>>)
      %dma_wait3A = arith.constant 0 : i32
      %dma_wait3A_46 = tpu.memref_slice %arg19[%add3A_23, %dma_wait3A] : memref<10000x144xf32, #tpu.memory_space<vmem_shared>> -> memref<80x144xf32, #tpu.memory_space<vmem_shared>>
      %dma_wait3A_47 = arith.constant 0 : i32
      %dma_wait3A_48 = tpu.memref_slice %arg19[%add3A_23, %dma_wait3A_47] : memref<10000x144xf32, #tpu.memory_space<vmem_shared>> -> memref<80x144xf32, #tpu.memory_space<vmem_shared>>
      tpu.wait_dma2 semaphore(%run_scoped3A : memref<!tpu.dma_semaphore, #tpu.memory_space<semaphore_mem>>) src(%arg15 : memref<80x144xf32, #tpu.memory_space<vmem>>) dst(%dma_wait3A_48 : memref<80x144xf32, #tpu.memory_space<vmem_shared>>)
      tpu.yield
    }) : () -> ()
    %add3A_24 = arith.constant 480 : i32
    %add3A_25 = arith.addi %mul3A_11, %add3A_24 : i32
    "tpu.region"() ({
      %run_scoped3A = tpu.sem_alloc : memref<!tpu.dma_semaphore, #tpu.memory_space<semaphore_mem>>
      %dma_start3A = arith.constant 0 : i32
      %dma_start3A_43 = tpu.memref_slice %arg19[%add3A_25, %dma_start3A] : memref<10000x144xf32, #tpu.memory_space<vmem_shared>> -> memref<80x144xf32, #tpu.memory_space<vmem_shared>>
      %dma_start3A_44 = arith.constant 0 : i32
      %dma_start3A_45 = tpu.memref_slice %arg19[%add3A_25, %dma_start3A_44] : memref<10000x144xf32, #tpu.memory_space<vmem_shared>> -> memref<80x144xf32, #tpu.memory_space<vmem_shared>>
      tpu.enqueue_dma source(%arg15 : memref<80x144xf32, #tpu.memory_space<vmem>>) target(%dma_start3A_45 : memref<80x144xf32, #tpu.memory_space<vmem_shared>>) target_semaphore(%run_scoped3A : memref<!tpu.dma_semaphore, #tpu.memory_space<semaphore_mem>>)
      %dma_wait3A = arith.constant 0 : i32
      %dma_wait3A_46 = tpu.memref_slice %arg19[%add3A_25, %dma_wait3A] : memref<10000x144xf32, #tpu.memory_space<vmem_shared>> -> memref<80x144xf32, #tpu.memory_space<vmem_shared>>
      %dma_wait3A_47 = arith.constant 0 : i32
      %dma_wait3A_48 = tpu.memref_slice %arg19[%add3A_25, %dma_wait3A_47] : memref<10000x144xf32, #tpu.memory_space<vmem_shared>> -> memref<80x144xf32, #tpu.memory_space<vmem_shared>>
      tpu.wait_dma2 semaphore(%run_scoped3A : memref<!tpu.dma_semaphore, #tpu.memory_space<semaphore_mem>>) src(%arg15 : memref<80x144xf32, #tpu.memory_space<vmem>>) dst(%dma_wait3A_48 : memref<80x144xf32, #tpu.memory_space<vmem_shared>>)
      tpu.yield
    }) : () -> ()
    %add3A_26 = arith.constant 560 : i32
    %add3A_27 = arith.addi %mul3A_11, %add3A_26 : i32
    "tpu.region"() ({
      %run_scoped3A = tpu.sem_alloc : memref<!tpu.dma_semaphore, #tpu.memory_space<semaphore_mem>>
      %dma_start3A = arith.constant 0 : i32
      %dma_start3A_43 = arith.constant 0 : i32
      %dma_start3A_44 = tpu.memref_slice %arg15[%dma_start3A, %dma_start3A_43] : memref<80x144xf32, #tpu.memory_space<vmem>> -> memref<65x144xf32, #tpu.memory_space<vmem>>
      %dma_start3A_45 = arith.constant 0 : i32
      %dma_start3A_46 = tpu.memref_slice %arg19[%add3A_27, %dma_start3A_45] : memref<10000x144xf32, #tpu.memory_space<vmem_shared>> -> memref<65x144xf32, #tpu.memory_space<vmem_shared>>
      %dma_start3A_47 = arith.constant 0 : i32
      %dma_start3A_48 = tpu.memref_slice %arg19[%add3A_27, %dma_start3A_47] : memref<10000x144xf32, #tpu.memory_space<vmem_shared>> -> memref<65x144xf32, #tpu.memory_space<vmem_shared>>
      %dma_start3A_49 = arith.constant 0 : i32
      %dma_start3A_50 = arith.constant 0 : i32
      %dma_start3A_51 = tpu.memref_slice %arg15[%dma_start3A_49, %dma_start3A_50] : memref<80x144xf32, #tpu.memory_space<vmem>> -> memref<65x144xf32, #tpu.memory_space<vmem>>
      tpu.enqueue_dma source(%dma_start3A_51 : memref<65x144xf32, #tpu.memory_space<vmem>>) target(%dma_start3A_48 : memref<65x144xf32, #tpu.memory_space<vmem_shared>>) target_semaphore(%run_scoped3A : memref<!tpu.dma_semaphore, #tpu.memory_space<semaphore_mem>>)
      %dma_wait3A = arith.constant 0 : i32
      %dma_wait3A_52 = arith.constant 0 : i32
      %dma_wait3A_53 = tpu.memref_slice %arg15[%dma_wait3A, %dma_wait3A_52] : memref<80x144xf32, #tpu.memory_space<vmem>> -> memref<65x144xf32, #tpu.memory_space<vmem>>
      %dma_wait3A_54 = arith.constant 0 : i32
      %dma_wait3A_55 = tpu.memref_slice %arg19[%add3A_27, %dma_wait3A_54] : memref<10000x144xf32, #tpu.memory_space<vmem_shared>> -> memref<65x144xf32, #tpu.memory_space<vmem_shared>>
      %dma_wait3A_56 = arith.constant 0 : i32
      %dma_wait3A_57 = tpu.memref_slice %arg19[%add3A_27, %dma_wait3A_56] : memref<10000x144xf32, #tpu.memory_space<vmem_shared>> -> memref<65x144xf32, #tpu.memory_space<vmem_shared>>
      %dma_wait3A_58 = arith.constant 0 : i32
      %dma_wait3A_59 = arith.constant 0 : i32
      %dma_wait3A_60 = tpu.memref_slice %arg15[%dma_wait3A_58, %dma_wait3A_59] : memref<80x144xf32, #tpu.memory_space<vmem>> -> memref<65x144xf32, #tpu.memory_space<vmem>>
      tpu.wait_dma2 semaphore(%run_scoped3A : memref<!tpu.dma_semaphore, #tpu.memory_space<semaphore_mem>>) src(%dma_wait3A_60 : memref<65x144xf32, #tpu.memory_space<vmem>>) dst(%dma_wait3A_57 : memref<65x144xf32, #tpu.memory_space<vmem_shared>>)
      tpu.yield
    }) : () -> ()
    %barrier3A = arith.constant 0 : index
    tpu.barrier barrier_id(%barrier3A)
    %iota3A = tpu.iota {dimensions = array<i32: 0>} : vector<16xi32>
    %eq3A_28 = arith.constant 0 : i32
    %eq3A_29 = vector.broadcast %eq3A_28 : i32 to vector<16xi32>
    %eq3A_30 = arith.cmpi eq, %iota3A, %eq3A_29 : vector<16xi32>
    %jit3A = arith.constant 1.000000e+00 : f32
    %jit3A_31 = arith.constant 0.000000e+00 : f32
    %broadcast_in_dim3A_32 = vector.broadcast %jit3A : f32 to vector<16xf32>
    %broadcast_in_dim3A_33 = vector.broadcast %jit3A_31 : f32 to vector<16xf32>
    %select_n3A = arith.select %eq3A_30, %broadcast_in_dim3A_32, %broadcast_in_dim3A_33 : vector<16xi1>, vector<16xf32>
    %mul3A_34 = arith.constant 10000 : i32
    %mul3A_35 = arith.muli %add3A, %mul3A_34 : i32
    %scan3A_36 = arith.constant 0 : i32
    %scan3A_37 = arith.constant 0 : i32
    %scan3A_38 = arith.constant 125 : i32
    %scan3A_39 = arith.addi %scan3A_37, %scan3A_38 : i32
    %scan3A_40 = arith.constant 1 : i32
    scf.for %scan3A_43 = %scan3A_37 to %scan3A_39 step %scan3A_40  : i32 {
      %mul3A_44 = arith.constant 80 : i32
      %mul3A_45 = arith.muli %scan3A_43, %mul3A_44 : i32
      %add3A_46 = arith.addi %mul3A_35, %mul3A_45 : i32
      "tpu.region"() ({
        %run_scoped3A = tpu.sem_alloc : memref<!tpu.dma_semaphore, #tpu.memory_space<semaphore_mem>>
        %dma_start3A_141 = tpu.memref_slice %arg2[%add3A_46] : memref<320000xi32, #tpu.memory_space<hbm>> -> memref<80xi32, #tpu.memory_space<hbm>>
        %dma_start3A_142 = tpu.memref_slice %arg2[%add3A_46] : memref<320000xi32, #tpu.memory_space<hbm>> -> memref<80xi32, #tpu.memory_space<hbm>>
        tpu.enqueue_dma source(%dma_start3A_142 : memref<80xi32, #tpu.memory_space<hbm>>) target(%arg10 : memref<80xi32, #tpu.memory_space<vmem>>) target_semaphore(%run_scoped3A : memref<!tpu.dma_semaphore, #tpu.memory_space<semaphore_mem>>)
        %dma_wait3A_143 = tpu.memref_slice %arg2[%add3A_46] : memref<320000xi32, #tpu.memory_space<hbm>> -> memref<80xi32, #tpu.memory_space<hbm>>
        %dma_wait3A_144 = tpu.memref_slice %arg2[%add3A_46] : memref<320000xi32, #tpu.memory_space<hbm>> -> memref<80xi32, #tpu.memory_space<hbm>>
        tpu.wait_dma2 semaphore(%run_scoped3A : memref<!tpu.dma_semaphore, #tpu.memory_space<semaphore_mem>>) src(%dma_wait3A_144 : memref<80xi32, #tpu.memory_space<hbm>>) dst(%arg10 : memref<80xi32, #tpu.memory_space<vmem>>)
        tpu.yield
      }) : () -> ()
      "tpu.region"() ({
        %run_scoped3A = tpu.sem_alloc : memref<!tpu.dma_semaphore, #tpu.memory_space<semaphore_mem>>
        %dma_start3A_141 = tpu.memref_slice %arg3[%add3A_46] : memref<320000xi32, #tpu.memory_space<hbm>> -> memref<80xi32, #tpu.memory_space<hbm>>
        %dma_start3A_142 = tpu.memref_slice %arg3[%add3A_46] : memref<320000xi32, #tpu.memory_space<hbm>> -> memref<80xi32, #tpu.memory_space<hbm>>
        tpu.enqueue_dma source(%dma_start3A_142 : memref<80xi32, #tpu.memory_space<hbm>>) target(%arg11 : memref<80xi32, #tpu.memory_space<vmem>>) target_semaphore(%run_scoped3A : memref<!tpu.dma_semaphore, #tpu.memory_space<semaphore_mem>>)
        %dma_wait3A_143 = tpu.memref_slice %arg3[%add3A_46] : memref<320000xi32, #tpu.memory_space<hbm>> -> memref<80xi32, #tpu.memory_space<hbm>>
        %dma_wait3A_144 = tpu.memref_slice %arg3[%add3A_46] : memref<320000xi32, #tpu.memory_space<hbm>> -> memref<80xi32, #tpu.memory_space<hbm>>
        tpu.wait_dma2 semaphore(%run_scoped3A : memref<!tpu.dma_semaphore, #tpu.memory_space<semaphore_mem>>) src(%dma_wait3A_144 : memref<80xi32, #tpu.memory_space<hbm>>) dst(%arg11 : memref<80xi32, #tpu.memory_space<vmem>>)
        tpu.yield
      }) : () -> ()
      %dma_start3A = arith.constant 0 : i32
      %dma_start3A_47 = arith.constant 0 : i32
      %dma_start3A_48 = tpu.memref_slice %arg6[%dma_start3A, %dma_start3A_47] : memref<10000x128xf32, #tpu.memory_space<hbm>> -> memref<10000x128xf32, #tpu.memory_space<hbm>>
      tpu.enqueue_indirect_dma source(%dma_start3A_48 : memref<10000x128xf32, #tpu.memory_space<hbm>>) target(%arg14 : memref<80x128xf32, #tpu.memory_space<vmem>>) offsets(%arg10 : memref<80xi32, #tpu.memory_space<vmem>>) semaphore(%arg20 : memref<!tpu.dma_semaphore, #tpu.memory_space<semaphore_mem>>)
      %dma_start3A_49 = arith.constant 0 : i32
      %dma_start3A_50 = tpu.memref_slice %arg17[%dma_start3A_49] : memref<10000xf32, #tpu.memory_space<vmem_shared>> -> memref<10000xf32, #tpu.memory_space<vmem_shared>>
      tpu.enqueue_indirect_dma source(%dma_start3A_50 : memref<10000xf32, #tpu.memory_space<vmem_shared>>) target(%arg12 : memref<80xf32, #tpu.memory_space<vmem>>) offsets(%arg10 : memref<80xi32, #tpu.memory_space<vmem>>) semaphore(%arg21 : memref<!tpu.dma_semaphore, #tpu.memory_space<semaphore_mem>>)
      %dma_start3A_51 = arith.constant 0 : i32
      %dma_start3A_52 = tpu.memref_slice %arg18[%dma_start3A_51] : memref<10000xf32, #tpu.memory_space<vmem_shared>> -> memref<10000xf32, #tpu.memory_space<vmem_shared>>
      tpu.enqueue_indirect_dma source(%dma_start3A_52 : memref<10000xf32, #tpu.memory_space<vmem_shared>>) target(%arg13 : memref<80xf32, #tpu.memory_space<vmem>>) offsets(%arg11 : memref<80xi32, #tpu.memory_space<vmem>>) semaphore(%arg21 : memref<!tpu.dma_semaphore, #tpu.memory_space<semaphore_mem>>)
      %dma_wait3A = arith.constant 0 : i32
      %dma_wait3A_53 = tpu.memref_slice %arg17[%dma_wait3A] : memref<10000xf32, #tpu.memory_space<vmem_shared>> -> memref<10000xf32, #tpu.memory_space<vmem_shared>>
      tpu.wait_indirect_dma semaphore(%arg21 : memref<!tpu.dma_semaphore, #tpu.memory_space<semaphore_mem>>) src(%dma_wait3A_53 : memref<10000xf32, #tpu.memory_space<vmem_shared>>) dst(%arg12 : memref<80xf32, #tpu.memory_space<vmem>>)
      %dma_wait3A_54 = arith.constant 0 : i32
      %dma_wait3A_55 = tpu.memref_slice %arg18[%dma_wait3A_54] : memref<10000xf32, #tpu.memory_space<vmem_shared>> -> memref<10000xf32, #tpu.memory_space<vmem_shared>>
      tpu.wait_indirect_dma semaphore(%arg21 : memref<!tpu.dma_semaphore, #tpu.memory_space<semaphore_mem>>) src(%dma_wait3A_55 : memref<10000xf32, #tpu.memory_space<vmem_shared>>) dst(%arg13 : memref<80xf32, #tpu.memory_space<vmem>>)
      %get3A_56 = arith.constant 0 : index
      %get3A_57 = tpu.vector_load %arg12[%get3A_56] {strides = array<i32>} : memref<80xf32, #tpu.memory_space<vmem>>, vector<16xf32>,
      %get3A_58 = arith.constant 0 : index
      %get3A_59 = tpu.vector_load %arg13[%get3A_58] {strides = array<i32>} : memref<80xf32, #tpu.memory_space<vmem>>, vector<16xf32>,
      %add3A_60 = arith.addf %get3A_57, %get3A_59 : vector<16xf32>
      %ge3A = arith.constant 0.000000e+00 : f32
      %ge3A_61 = vector.broadcast %ge3A : f32 to vector<16xf32>
      %ge3A_62 = arith.cmpf oge, %add3A_60, %ge3A_61 : vector<16xf32>
      %mul3A_63 = arith.constant 2.000000e-01 : f32
      %mul3A_64 = vector.broadcast %mul3A_63 : f32 to vector<16xf32>
      %mul3A_65 = arith.mulf %mul3A_64, %add3A_60 : vector<16xf32>
      %select_n3A_66 = arith.select %ge3A_62, %add3A_60, %mul3A_65 : vector<16xi1>, vector<16xf32>
      %sub3A = arith.subf %select_n3A_66, %get3A_1 : vector<16xf32>
      %exp3A = math.exp %sub3A : vector<16xf32>
      %swap3A = arith.constant 0 : index
      %swap3A_67 = tpu.vector_load %arg16[%swap3A] {strides = array<i32>} : memref<96xf32, #tpu.memory_space<vmem>>, vector<16xf32>,
      tpu.vector_store %arg16[%swap3A], %exp3A {strides = array<i32>} : memref<96xf32, #tpu.memory_space<vmem>>, vector<16xf32>,
      %get3A_68 = arith.constant 16 : index
      %get3A_69 = tpu.vector_load %arg12[%get3A_68] {strides = array<i32>} : memref<80xf32, #tpu.memory_space<vmem>>, vector<16xf32>,
      %get3A_70 = arith.constant 16 : index
      %get3A_71 = tpu.vector_load %arg13[%get3A_70] {strides = array<i32>} : memref<80xf32, #tpu.memory_space<vmem>>, vector<16xf32>,
      %add3A_72 = arith.addf %get3A_69, %get3A_71 : vector<16xf32>
      %ge3A_73 = arith.constant 0.000000e+00 : f32
      %ge3A_74 = vector.broadcast %ge3A_73 : f32 to vector<16xf32>
      %ge3A_75 = arith.cmpf oge, %add3A_72, %ge3A_74 : vector<16xf32>
      %mul3A_76 = arith.constant 2.000000e-01 : f32
      %mul3A_77 = vector.broadcast %mul3A_76 : f32 to vector<16xf32>
      %mul3A_78 = arith.mulf %mul3A_77, %add3A_72 : vector<16xf32>
      %select_n3A_79 = arith.select %ge3A_75, %add3A_72, %mul3A_78 : vector<16xi1>, vector<16xf32>
      %sub3A_80 = arith.subf %select_n3A_79, %get3A_1 : vector<16xf32>
      %exp3A_81 = math.exp %sub3A_80 : vector<16xf32>
      %swap3A_82 = arith.constant 16 : index
      %swap3A_83 = tpu.vector_load %arg16[%swap3A_82] {strides = array<i32>} : memref<96xf32, #tpu.memory_space<vmem>>, vector<16xf32>,
      tpu.vector_store %arg16[%swap3A_82], %exp3A_81 {strides = array<i32>} : memref<96xf32, #tpu.memory_space<vmem>>, vector<16xf32>,
      %get3A_84 = arith.constant 32 : index
      %get3A_85 = tpu.vector_load %arg12[%get3A_84] {strides = array<i32>} : memref<80xf32, #tpu.memory_space<vmem>>, vector<16xf32>,
      %get3A_86 = arith.constant 32 : index
      %get3A_87 = tpu.vector_load %arg13[%get3A_86] {strides = array<i32>} : memref<80xf32, #tpu.memory_space<vmem>>, vector<16xf32>,
      %add3A_88 = arith.addf %get3A_85, %get3A_87 : vector<16xf32>
      %ge3A_89 = arith.constant 0.000000e+00 : f32
      %ge3A_90 = vector.broadcast %ge3A_89 : f32 to vector<16xf32>
      %ge3A_91 = arith.cmpf oge, %add3A_88, %ge3A_90 : vector<16xf32>
      %mul3A_92 = arith.constant 2.000000e-01 : f32
      %mul3A_93 = vector.broadcast %mul3A_92 : f32 to vector<16xf32>
      %mul3A_94 = arith.mulf %mul3A_93, %add3A_88 : vector<16xf32>
      %select_n3A_95 = arith.select %ge3A_91, %add3A_88, %mul3A_94 : vector<16xi1>, vector<16xf32>
      %sub3A_96 = arith.subf %select_n3A_95, %get3A_1 : vector<16xf32>
      %exp3A_97 = math.exp %sub3A_96 : vector<16xf32>
      %swap3A_98 = arith.constant 32 : index
      %swap3A_99 = tpu.vector_load %arg16[%swap3A_98] {strides = array<i32>} : memref<96xf32, #tpu.memory_space<vmem>>, vector<16xf32>,
      tpu.vector_store %arg16[%swap3A_98], %exp3A_97 {strides = array<i32>} : memref<96xf32, #tpu.memory_space<vmem>>, vector<16xf32>,
      %get3A_100 = arith.constant 48 : index
      %get3A_101 = tpu.vector_load %arg12[%get3A_100] {strides = array<i32>} : memref<80xf32, #tpu.memory_space<vmem>>, vector<16xf32>,
      %get3A_102 = arith.constant 48 : index
      %get3A_103 = tpu.vector_load %arg13[%get3A_102] {strides = array<i32>} : memref<80xf32, #tpu.memory_space<vmem>>, vector<16xf32>,
      %add3A_104 = arith.addf %get3A_101, %get3A_103 : vector<16xf32>
      %ge3A_105 = arith.constant 0.000000e+00 : f32
      %ge3A_106 = vector.broadcast %ge3A_105 : f32 to vector<16xf32>
      %ge3A_107 = arith.cmpf oge, %add3A_104, %ge3A_106 : vector<16xf32>
      %mul3A_108 = arith.constant 2.000000e-01 : f32
      %mul3A_109 = vector.broadcast %mul3A_108 : f32 to vector<16xf32>
      %mul3A_110 = arith.mulf %mul3A_109, %add3A_104 : vector<16xf32>
      %select_n3A_111 = arith.select %ge3A_107, %add3A_104, %mul3A_110 : vector<16xi1>, vector<16xf32>
      %sub3A_112 = arith.subf %select_n3A_111, %get3A_1 : vector<16xf32>
      %exp3A_113 = math.exp %sub3A_112 : vector<16xf32>
      %swap3A_114 = arith.constant 48 : index
      %swap3A_115 = tpu.vector_load %arg16[%swap3A_114] {strides = array<i32>} : memref<96xf32, #tpu.memory_space<vmem>>, vector<16xf32>,
      tpu.vector_store %arg16[%swap3A_114], %exp3A_113 {strides = array<i32>} : memref<96xf32, #tpu.memory_space<vmem>>, vector<16xf32>,
      %get3A_116 = arith.constant 64 : index
      %get3A_117 = tpu.vector_load %arg12[%get3A_116] {strides = array<i32>} : memref<80xf32, #tpu.memory_space<vmem>>, vector<16xf32>,
      %get3A_118 = arith.constant 64 : index
      %get3A_119 = tpu.vector_load %arg13[%get3A_118] {strides = array<i32>} : memref<80xf32, #tpu.memory_space<vmem>>, vector<16xf32>,
      %add3A_120 = arith.addf %get3A_117, %get3A_119 : vector<16xf32>
      %ge3A_121 = arith.constant 0.000000e+00 : f32
      %ge3A_122 = vector.broadcast %ge3A_121 : f32 to vector<16xf32>
      %ge3A_123 = arith.cmpf oge, %add3A_120, %ge3A_122 : vector<16xf32>
      %mul3A_124 = arith.constant 2.000000e-01 : f32
      %mul3A_125 = vector.broadcast %mul3A_124 : f32 to vector<16xf32>
      %mul3A_126 = arith.mulf %mul3A_125, %add3A_120 : vector<16xf32>
      %select_n3A_127 = arith.select %ge3A_123, %add3A_120, %mul3A_126 : vector<16xi1>, vector<16xf32>
      %sub3A_128 = arith.subf %select_n3A_127, %get3A_1 : vector<16xf32>
      %exp3A_129 = math.exp %sub3A_128 : vector<16xf32>
      %swap3A_130 = arith.constant 64 : index
      %swap3A_131 = tpu.vector_load %arg16[%swap3A_130] {strides = array<i32>} : memref<96xf32, #tpu.memory_space<vmem>>, vector<16xf32>,
      tpu.vector_store %arg16[%swap3A_130], %exp3A_129 {strides = array<i32>} : memref<96xf32, #tpu.memory_space<vmem>>, vector<16xf32>,
      %dma_wait3A_132 = arith.constant 0 : i32
      %dma_wait3A_133 = arith.constant 0 : i32
      %dma_wait3A_134 = tpu.memref_slice %arg6[%dma_wait3A_132, %dma_wait3A_133] : memref<10000x128xf32, #tpu.memory_space<hbm>> -> memref<10000x128xf32, #tpu.memory_space<hbm>>
      tpu.wait_indirect_dma semaphore(%arg20 : memref<!tpu.dma_semaphore, #tpu.memory_space<semaphore_mem>>) src(%dma_wait3A_134 : memref<10000x128xf32, #tpu.memory_space<hbm>>) dst(%arg14 : memref<80x128xf32, #tpu.memory_space<vmem>>)
      %scan3A_135 = arith.constant 0 : i32
      %scan3A_136 = arith.constant 0 : i32
      %scan3A_137 = arith.constant 80 : i32
      %scan3A_138 = arith.addi %scan3A_136, %scan3A_137 : i32
      %scan3A_139 = arith.constant 1 : i32
      scf.for %scan3A_141 = %scan3A_136 to %scan3A_138 step %scan3A_139  : i32 {
        %get3A_142 = arith.index_cast %scan3A_141 : i32 to index
        %get3A_143 = tpu.vector_load %arg16[%get3A_142] {strides = array<i32>} : memref<96xf32, #tpu.memory_space<vmem>>, vector<16xf32>,
        %slice3A = vector.extract_strided_slice %get3A_143 {offsets = [0], sizes = [1], strides = [1]} : vector<16xf32> to vector<1xf32>
        %squeeze3A = vector.extract %slice3A[0] : f32 from vector<1xf32>
        %broadcast_in_dim3A_144 = vector.broadcast %squeeze3A : f32 to vector<16xf32>
        %get3A_145 = arith.index_cast %scan3A_141 : i32 to index
        %get3A_146 = arith.constant 0 : index
        %get3A_147 = tpu.vector_load %arg14[%get3A_145, %get3A_146] {strides = array<i32>} : memref<80x128xf32, #tpu.memory_space<vmem>>, vector<16xf32>,
        %mul3A_148 = arith.mulf %get3A_147, %broadcast_in_dim3A_144 : vector<16xf32>
        %swap3A_149 = arith.index_cast %scan3A_141 : i32 to index
        %swap3A_150 = arith.constant 0 : index
        %swap3A_151 = tpu.vector_load %arg15[%swap3A_149, %swap3A_150] {strides = array<i32>} : memref<80x144xf32, #tpu.memory_space<vmem>>, vector<16xf32>,
        tpu.vector_store %arg15[%swap3A_149, %swap3A_150], %mul3A_148 {strides = array<i32>} : memref<80x144xf32, #tpu.memory_space<vmem>>, vector<16xf32>,
        %get3A_152 = arith.index_cast %scan3A_141 : i32 to index
        %get3A_153 = arith.constant 16 : index
        %get3A_154 = tpu.vector_load %arg14[%get3A_152, %get3A_153] {strides = array<i32>} : memref<80x128xf32, #tpu.memory_space<vmem>>, vector<16xf32>,
        %mul3A_155 = arith.mulf %get3A_154, %broadcast_in_dim3A_144 : vector<16xf32>
        %swap3A_156 = arith.index_cast %scan3A_141 : i32 to index
        %swap3A_157 = arith.constant 16 : index
        %swap3A_158 = tpu.vector_load %arg15[%swap3A_156, %swap3A_157] {strides = array<i32>} : memref<80x144xf32, #tpu.memory_space<vmem>>, vector<16xf32>,
        tpu.vector_store %arg15[%swap3A_156, %swap3A_157], %mul3A_155 {strides = array<i32>} : memref<80x144xf32, #tpu.memory_space<vmem>>, vector<16xf32>,
        %get3A_159 = arith.index_cast %scan3A_141 : i32 to index
        %get3A_160 = arith.constant 32 : index
        %get3A_161 = tpu.vector_load %arg14[%get3A_159, %get3A_160] {strides = array<i32>} : memref<80x128xf32, #tpu.memory_space<vmem>>, vector<16xf32>,
        %mul3A_162 = arith.mulf %get3A_161, %broadcast_in_dim3A_144 : vector<16xf32>
        %swap3A_163 = arith.index_cast %scan3A_141 : i32 to index
        %swap3A_164 = arith.constant 32 : index
        %swap3A_165 = tpu.vector_load %arg15[%swap3A_163, %swap3A_164] {strides = array<i32>} : memref<80x144xf32, #tpu.memory_space<vmem>>, vector<16xf32>,
        tpu.vector_store %arg15[%swap3A_163, %swap3A_164], %mul3A_162 {strides = array<i32>} : memref<80x144xf32, #tpu.memory_space<vmem>>, vector<16xf32>,
        %get3A_166 = arith.index_cast %scan3A_141 : i32 to index
        %get3A_167 = arith.constant 48 : index
        %get3A_168 = tpu.vector_load %arg14[%get3A_166, %get3A_167] {strides = array<i32>} : memref<80x128xf32, #tpu.memory_space<vmem>>, vector<16xf32>,
        %mul3A_169 = arith.mulf %get3A_168, %broadcast_in_dim3A_144 : vector<16xf32>
        %swap3A_170 = arith.index_cast %scan3A_141 : i32 to index
        %swap3A_171 = arith.constant 48 : index
        %swap3A_172 = tpu.vector_load %arg15[%swap3A_170, %swap3A_171] {strides = array<i32>} : memref<80x144xf32, #tpu.memory_space<vmem>>, vector<16xf32>,
        tpu.vector_store %arg15[%swap3A_170, %swap3A_171], %mul3A_169 {strides = array<i32>} : memref<80x144xf32, #tpu.memory_space<vmem>>, vector<16xf32>,
        %get3A_173 = arith.index_cast %scan3A_141 : i32 to index
        %get3A_174 = arith.constant 64 : index
        %get3A_175 = tpu.vector_load %arg14[%get3A_173, %get3A_174] {strides = array<i32>} : memref<80x128xf32, #tpu.memory_space<vmem>>, vector<16xf32>,
        %mul3A_176 = arith.mulf %get3A_175, %broadcast_in_dim3A_144 : vector<16xf32>
        %swap3A_177 = arith.index_cast %scan3A_141 : i32 to index
        %swap3A_178 = arith.constant 64 : index
        %swap3A_179 = tpu.vector_load %arg15[%swap3A_177, %swap3A_178] {strides = array<i32>} : memref<80x144xf32, #tpu.memory_space<vmem>>, vector<16xf32>,
        tpu.vector_store %arg15[%swap3A_177, %swap3A_178], %mul3A_176 {strides = array<i32>} : memref<80x144xf32, #tpu.memory_space<vmem>>, vector<16xf32>,
        %get3A_180 = arith.index_cast %scan3A_141 : i32 to index
        %get3A_181 = arith.constant 80 : index
        %get3A_182 = tpu.vector_load %arg14[%get3A_180, %get3A_181] {strides = array<i32>} : memref<80x128xf32, #tpu.memory_space<vmem>>, vector<16xf32>,
        %mul3A_183 = arith.mulf %get3A_182, %broadcast_in_dim3A_144 : vector<16xf32>
        %swap3A_184 = arith.index_cast %scan3A_141 : i32 to index
        %swap3A_185 = arith.constant 80 : index
        %swap3A_186 = tpu.vector_load %arg15[%swap3A_184, %swap3A_185] {strides = array<i32>} : memref<80x144xf32, #tpu.memory_space<vmem>>, vector<16xf32>,
        tpu.vector_store %arg15[%swap3A_184, %swap3A_185], %mul3A_183 {strides = array<i32>} : memref<80x144xf32, #tpu.memory_space<vmem>>, vector<16xf32>,
        %get3A_187 = arith.index_cast %scan3A_141 : i32 to index
        %get3A_188 = arith.constant 96 : index
        %get3A_189 = tpu.vector_load %arg14[%get3A_187, %get3A_188] {strides = array<i32>} : memref<80x128xf32, #tpu.memory_space<vmem>>, vector<16xf32>,
        %mul3A_190 = arith.mulf %get3A_189, %broadcast_in_dim3A_144 : vector<16xf32>
        %swap3A_191 = arith.index_cast %scan3A_141 : i32 to index
        %swap3A_192 = arith.constant 96 : index
        %swap3A_193 = tpu.vector_load %arg15[%swap3A_191, %swap3A_192] {strides = array<i32>} : memref<80x144xf32, #tpu.memory_space<vmem>>, vector<16xf32>,
        tpu.vector_store %arg15[%swap3A_191, %swap3A_192], %mul3A_190 {strides = array<i32>} : memref<80x144xf32, #tpu.memory_space<vmem>>, vector<16xf32>,
        %get3A_194 = arith.index_cast %scan3A_141 : i32 to index
        %get3A_195 = arith.constant 112 : index
        %get3A_196 = tpu.vector_load %arg14[%get3A_194, %get3A_195] {strides = array<i32>} : memref<80x128xf32, #tpu.memory_space<vmem>>, vector<16xf32>,
        %mul3A_197 = arith.mulf %get3A_196, %broadcast_in_dim3A_144 : vector<16xf32>
        %swap3A_198 = arith.index_cast %scan3A_141 : i32 to index
        %swap3A_199 = arith.constant 112 : index
        %swap3A_200 = tpu.vector_load %arg15[%swap3A_198, %swap3A_199] {strides = array<i32>} : memref<80x144xf32, #tpu.memory_space<vmem>>, vector<16xf32>,
        tpu.vector_store %arg15[%swap3A_198, %swap3A_199], %mul3A_197 {strides = array<i32>} : memref<80x144xf32, #tpu.memory_space<vmem>>, vector<16xf32>,
        %mul3A_201 = arith.mulf %broadcast_in_dim3A_144, %select_n3A : vector<16xf32>
        %swap3A_202 = arith.index_cast %scan3A_141 : i32 to index
        %swap3A_203 = arith.constant 128 : index
        %swap3A_204 = tpu.vector_load %arg15[%swap3A_202, %swap3A_203] {strides = array<i32>} : memref<80x144xf32, #tpu.memory_space<vmem>>, vector<16xf32>,
        tpu.vector_store %arg15[%swap3A_202, %swap3A_203], %mul3A_201 {strides = array<i32>} : memref<80x144xf32, #tpu.memory_space<vmem>>, vector<16xf32>,
      }
      %scan3A_140 = arith.constant 80 : i32
      "tpu.region"() ({
        %run_scoped3A = tpu.sem_alloc : memref<!tpu.dma_semaphore, #tpu.memory_space<semaphore_mem>>
        %dma_start3A_141 = arith.constant 0 : i32
        %dma_start3A_142 = arith.constant 0 : i32
        %dma_start3A_143 = tpu.memref_slice %arg19[%dma_start3A_141, %dma_start3A_142] : memref<10000x144xf32, #tpu.memory_space<vmem_shared>> -> memref<10000x144xf32, #tpu.memory_space<vmem_shared>>
        tpu.enqueue_indirect_dma source(%arg15 : memref<80x144xf32, #tpu.memory_space<vmem>>) target(%dma_start3A_143 : memref<10000x144xf32, #tpu.memory_space<vmem_shared>>) offsets(%arg11 : memref<80xi32, #tpu.memory_space<vmem>>) semaphore(%run_scoped3A : memref<!tpu.dma_semaphore, #tpu.memory_space<semaphore_mem>>) {add = true}
        %dma_wait3A_144 = arith.constant 0 : i32
        %dma_wait3A_145 = arith.constant 0 : i32
        %dma_wait3A_146 = tpu.memref_slice %arg19[%dma_wait3A_144, %dma_wait3A_145] : memref<10000x144xf32, #tpu.memory_space<vmem_shared>> -> memref<10000x144xf32, #tpu.memory_space<vmem_shared>>
        tpu.wait_indirect_dma semaphore(%run_scoped3A : memref<!tpu.dma_semaphore, #tpu.memory_space<semaphore_mem>>) src(%arg15 : memref<80x144xf32, #tpu.memory_space<vmem>>) dst(%dma_wait3A_146 : memref<10000x144xf32, #tpu.memory_space<vmem_shared>>)
        tpu.yield
      }) : () -> ()
    }
    %scan3A_41 = arith.constant 125 : i32
    %barrier3A_42 = arith.constant 0 : index
    tpu.barrier barrier_id(%barrier3A_42)
    "tpu.region"() ({
      %run_scoped3A = tpu.sem_alloc : memref<!tpu.dma_semaphore, #tpu.memory_space<semaphore_mem>>
      %dma_start3A = arith.constant 0 : i32
      %dma_start3A_43 = tpu.memref_slice %arg8[%arg0, %mul3A_11, %dma_start3A] : memref<2x10000x144xf32, #tpu.memory_space<hbm>> -> memref<1x625x144xf32, #tpu.memory_space<hbm>>
      %dma_start3A_44 = tpu.memref_squeeze %dma_start3A_43 : memref<1x625x144xf32, #tpu.memory_space<hbm>> -> memref<625x144xf32, #tpu.memory_space<hbm>>
      %dma_start3A_45 = arith.constant 0 : i32
      %dma_start3A_46 = tpu.memref_slice %arg19[%mul3A_11, %dma_start3A_45] : memref<10000x144xf32, #tpu.memory_space<vmem_shared>> -> memref<625x144xf32, #tpu.memory_space<vmem_shared>>
      tpu.enqueue_dma source(%dma_start3A_46 : memref<625x144xf32, #tpu.memory_space<vmem_shared>>) target(%dma_start3A_44 : memref<625x144xf32, #tpu.memory_space<hbm>>) target_semaphore(%run_scoped3A : memref<!tpu.dma_semaphore, #tpu.memory_space<semaphore_mem>>)
      %dma_wait3A = arith.constant 0 : i32
      %dma_wait3A_47 = tpu.memref_slice %arg8[%arg0, %mul3A_11, %dma_wait3A] : memref<2x10000x144xf32, #tpu.memory_space<hbm>> -> memref<1x625x144xf32, #tpu.memory_space<hbm>>
      %dma_wait3A_48 = tpu.memref_squeeze %dma_wait3A_47 : memref<1x625x144xf32, #tpu.memory_space<hbm>> -> memref<625x144xf32, #tpu.memory_space<hbm>>
      %dma_wait3A_49 = arith.constant 0 : i32
      %dma_wait3A_50 = tpu.memref_slice %arg19[%mul3A_11, %dma_wait3A_49] : memref<10000x144xf32, #tpu.memory_space<vmem_shared>> -> memref<625x144xf32, #tpu.memory_space<vmem_shared>>
      tpu.wait_dma2 semaphore(%run_scoped3A : memref<!tpu.dma_semaphore, #tpu.memory_space<semaphore_mem>>) src(%dma_wait3A_50 : memref<625x144xf32, #tpu.memory_space<vmem_shared>>) dst(%dma_wait3A_48 : memref<625x144xf32, #tpu.memory_space<hbm>>)
      tpu.yield
    }) : () -> ()
    return
  }
}

module attributes {stable_mosaic.version = 14 : i64} {
  func.func @_dense_body(%arg0: i32, %arg1: memref<1000x128xf32, #tpu.memory_space<vmem>>, %arg2: memref<128x128xf32, #tpu.memory_space<vmem>>, %arg3: memref<1x128xf32, #tpu.memory_space<vmem>>, %arg4: memref<1x128xf32, #tpu.memory_space<vmem>>, %arg5: memref<1000x128xf32, #tpu.memory_space<vmem>>, %arg6: memref<1000x1xf32, #tpu.memory_space<vmem>>, %arg7: memref<1000x1xf32, #tpu.memory_space<vmem>>, %arg8: memref<1x1xf32, #tpu.memory_space<vmem>>, %arg9: memref<1x1xf32, #tpu.memory_space<vmem>>) attributes {dimension_semantics = [#tpu.dimension_semantics<arbitrary>], iteration_bounds = array<i64: 10>, scalar_prefetch = 0 : i64, scratch_operands = 0 : i64, tpu.core_type = #tpu.core_type<tc>, window_params = [{transform_indices = @transform_0, window_bounds = array<i64: 1000, 128>}, {pipeline_mode = #tpu.pipeline_mode<synchronous>, transform_indices = @transform_1, window_bounds = array<i64: 128, 128>}, {pipeline_mode = #tpu.pipeline_mode<synchronous>, transform_indices = @transform_2, window_bounds = array<i64: 1, 128>}, {pipeline_mode = #tpu.pipeline_mode<synchronous>, transform_indices = @transform_3, window_bounds = array<i64: 1, 128>}, {transform_indices = @transform_4, window_bounds = array<i64: 1000, 128>}, {transform_indices = @transform_5, window_bounds = array<i64: 1000, 1>}, {transform_indices = @transform_6, window_bounds = array<i64: 1000, 1>}, {pipeline_mode = #tpu.pipeline_mode<synchronous>, transform_indices = @transform_7, window_bounds = array<i64: 1, 1>}, {pipeline_mode = #tpu.pipeline_mode<synchronous>, transform_indices = @transform_8, window_bounds = array<i64: 1, 1>}]} {
    %get3A = arith.constant 0 : index
    %get3A_0 = arith.constant 0 : index
    %get3A_1 = vector.load %arg1[%get3A, %get3A_0] : memref<1000x128xf32, #tpu.memory_space<vmem>>, vector<1000x128xf32>
    %get3A_2 = arith.constant 0 : index
    %get3A_3 = arith.constant 0 : index
    %get3A_4 = vector.load %arg2[%get3A_2, %get3A_3] : memref<128x128xf32, #tpu.memory_space<vmem>>, vector<128x128xf32>
    %dot_general3A = arith.constant dense<0.000000e+00> : vector<1000x128xf32>
    %dot_general3A_5 = tpu.matmul %get3A_1, %get3A_4, %dot_general3A {dimension_numbers = #tpu.dot_dimension_numbers<[1], [1], [0], [0], [0, 0, 1, 0], [], []>, transpose_lhs_hint = false} : vector<1000x128xf32>, vector<128x128xf32>, vector<1000x128xf32> -> vector<1000x128xf32>
    %swap3A = arith.constant 0 : index
    %swap3A_6 = arith.constant 0 : index
    %swap3A_7 = vector.load %arg5[%swap3A, %swap3A_6] : memref<1000x128xf32, #tpu.memory_space<vmem>>, vector<1000x128xf32>
    tpu.vector_store %arg5[%swap3A, %swap3A_6], %dot_general3A_5 {strides = array<i32>} : memref<1000x128xf32, #tpu.memory_space<vmem>>, vector<1000x128xf32>,
    %get3A_8 = arith.constant 0 : index
    %get3A_9 = arith.constant 0 : index
    %get3A_10 = vector.load %arg3[%get3A_8, %get3A_9] : memref<1x128xf32, #tpu.memory_space<vmem>>, vector<1x128xf32>
    %mul3A = vector.broadcast %get3A_10 : vector<1x128xf32> to vector<1000x128xf32>
    %mul3A_11 = arith.mulf %dot_general3A_5, %mul3A : vector<1000x128xf32>
    %reduce_sum3A = arith.constant dense<0.000000e+00> : vector<1000xf32>
    %reduce_sum3A_12 = vector.multi_reduction <add>, %mul3A_11, %reduce_sum3A [1] : vector<1000x128xf32> to vector<1000xf32>
    %broadcast_in_dim3A = vector.shape_cast %reduce_sum3A_12 : vector<1000xf32> to vector<1000x1xf32>
    %get3A_13 = arith.constant 0 : index
    %get3A_14 = arith.constant 0 : index
    %get3A_15 = vector.load %arg4[%get3A_13, %get3A_14] : memref<1x128xf32, #tpu.memory_space<vmem>>, vector<1x128xf32>
    %mul3A_16 = vector.broadcast %get3A_15 : vector<1x128xf32> to vector<1000x128xf32>
    %mul3A_17 = arith.mulf %dot_general3A_5, %mul3A_16 : vector<1000x128xf32>
    %reduce_sum3A_18 = arith.constant dense<0.000000e+00> : vector<1000xf32>
    %reduce_sum3A_19 = vector.multi_reduction <add>, %mul3A_17, %reduce_sum3A_18 [1] : vector<1000x128xf32> to vector<1000xf32>
    %broadcast_in_dim3A_20 = vector.shape_cast %reduce_sum3A_19 : vector<1000xf32> to vector<1000x1xf32>
    %swap3A_21 = arith.constant 0 : index
    %swap3A_22 = arith.constant 0 : index
    %swap3A_23 = vector.load %arg6[%swap3A_21, %swap3A_22] : memref<1000x1xf32, #tpu.memory_space<vmem>>, vector<1000x1xf32>
    tpu.vector_store %arg6[%swap3A_21, %swap3A_22], %broadcast_in_dim3A {strides = array<i32>} : memref<1000x1xf32, #tpu.memory_space<vmem>>, vector<1000x1xf32>,
    %swap3A_24 = arith.constant 0 : index
    %swap3A_25 = arith.constant 0 : index
    %swap3A_26 = vector.load %arg7[%swap3A_24, %swap3A_25] : memref<1000x1xf32, #tpu.memory_space<vmem>>, vector<1000x1xf32>
    tpu.vector_store %arg7[%swap3A_24, %swap3A_25], %broadcast_in_dim3A_20 {strides = array<i32>} : memref<1000x1xf32, #tpu.memory_space<vmem>>, vector<1000x1xf32>,
    %eq3A = arith.constant 0 : i32
    %eq3A_27 = arith.cmpi eq, %arg0, %eq3A : i32
    %convert_element_type3A = arith.extui %eq3A_27 : i1 to i32
    %cond3A = arith.constant 0 : i32
    %cond3A_28 = arith.cmpi ne, %convert_element_type3A, %cond3A : i32
    scf.if %cond3A_28 {
      %broadcast_in_dim3A_53 = arith.constant 0xFF800000 : f32
      %broadcast_in_dim3A_54 = vector.broadcast %broadcast_in_dim3A_53 : f32 to vector<1x1xf32>
      %swap3A_55 = arith.constant 0 : index
      %swap3A_56 = arith.constant 0 : index
      %swap3A_57 = vector.load %arg8[%swap3A_55, %swap3A_56] : memref<1x1xf32, #tpu.memory_space<vmem>>, vector<1x1xf32>
      tpu.vector_store %arg8[%swap3A_55, %swap3A_56], %broadcast_in_dim3A_54 {strides = array<i32>} : memref<1x1xf32, #tpu.memory_space<vmem>>, vector<1x1xf32>,
      %broadcast_in_dim3A_58 = arith.constant 0xFF800000 : f32
      %broadcast_in_dim3A_59 = vector.broadcast %broadcast_in_dim3A_58 : f32 to vector<1x1xf32>
      %swap3A_60 = arith.constant 0 : index
      %swap3A_61 = arith.constant 0 : index
      %swap3A_62 = vector.load %arg9[%swap3A_60, %swap3A_61] : memref<1x1xf32, #tpu.memory_space<vmem>>, vector<1x1xf32>
      tpu.vector_store %arg9[%swap3A_60, %swap3A_61], %broadcast_in_dim3A_59 {strides = array<i32>} : memref<1x1xf32, #tpu.memory_space<vmem>>, vector<1x1xf32>,
    } else {
    }
    %get3A_29 = arith.constant 0 : index
    %get3A_30 = arith.constant 0 : index
    %get3A_31 = vector.load %arg8[%get3A_29, %get3A_30] : memref<1x1xf32, #tpu.memory_space<vmem>>, vector<1x1xf32>
    %reduce_max3A = vector.shape_cast %broadcast_in_dim3A : vector<1000x1xf32> to vector<1x1000x1xf32>
    %reduce_max3A_32 = arith.constant dense<0xFF800000> : vector<1xf32>
    %reduce_max3A_33 = vector.multi_reduction <maximumf>, %reduce_max3A, %reduce_max3A_32 [1, 2] : vector<1x1000x1xf32> to vector<1xf32>
    %reduce_max3A_34 = vector.shape_cast %reduce_max3A_33 : vector<1xf32> to vector<1x1x1xf32>
    %reduce_max3A_35 = vector.extract %reduce_max3A_34[0, 0, 0] : f32 from vector<1x1x1xf32>
    %broadcast_in_dim3A_36 = vector.broadcast %reduce_max3A_35 : f32 to vector<1x1xf32>
    %max3A = arith.maximumf %get3A_31, %broadcast_in_dim3A_36 : vector<1x1xf32>
    %swap3A_37 = arith.constant 0 : index
    %swap3A_38 = arith.constant 0 : index
    %swap3A_39 = vector.load %arg8[%swap3A_37, %swap3A_38] : memref<1x1xf32, #tpu.memory_space<vmem>>, vector<1x1xf32>
    tpu.vector_store %arg8[%swap3A_37, %swap3A_38], %max3A {strides = array<i32>} : memref<1x1xf32, #tpu.memory_space<vmem>>, vector<1x1xf32>,
    %get3A_40 = arith.constant 0 : index
    %get3A_41 = arith.constant 0 : index
    %get3A_42 = vector.load %arg9[%get3A_40, %get3A_41] : memref<1x1xf32, #tpu.memory_space<vmem>>, vector<1x1xf32>
    %reduce_max3A_43 = vector.shape_cast %broadcast_in_dim3A_20 : vector<1000x1xf32> to vector<1x1000x1xf32>
    %reduce_max3A_44 = arith.constant dense<0xFF800000> : vector<1xf32>
    %reduce_max3A_45 = vector.multi_reduction <maximumf>, %reduce_max3A_43, %reduce_max3A_44 [1, 2] : vector<1x1000x1xf32> to vector<1xf32>
    %reduce_max3A_46 = vector.shape_cast %reduce_max3A_45 : vector<1xf32> to vector<1x1x1xf32>
    %reduce_max3A_47 = vector.extract %reduce_max3A_46[0, 0, 0] : f32 from vector<1x1x1xf32>
    %broadcast_in_dim3A_48 = vector.broadcast %reduce_max3A_47 : f32 to vector<1x1xf32>
    %max3A_49 = arith.maximumf %get3A_42, %broadcast_in_dim3A_48 : vector<1x1xf32>
    %swap3A_50 = arith.constant 0 : index
    %swap3A_51 = arith.constant 0 : index
    %swap3A_52 = vector.load %arg9[%swap3A_50, %swap3A_51] : memref<1x1xf32, #tpu.memory_space<vmem>>, vector<1x1xf32>
    tpu.vector_store %arg9[%swap3A_50, %swap3A_51], %max3A_49 {strides = array<i32>} : memref<1x1xf32, #tpu.memory_space<vmem>>, vector<1x1xf32>,
    return
  }
  func.func @transform_0(%arg0: i32) -> (i32, i32) {
    %c0_i32 = arith.constant 0 : i32
    %c0_i32_0 = arith.constant 0 : i32
    return %arg0, %c0_i32 : i32, i32
  }
  func.func @transform_1(%arg0: i32) -> (i32, i32) {
    %c0_i32 = arith.constant 0 : i32
    %c0_i32_0 = arith.constant 0 : i32
    %c0_i32_1 = arith.constant 0 : i32
    return %c0_i32, %c0_i32_0 : i32, i32
  }
  func.func @transform_2(%arg0: i32) -> (i32, i32) {
    %c0_i32 = arith.constant 0 : i32
    %c0_i32_0 = arith.constant 0 : i32
    %c0_i32_1 = arith.constant 0 : i32
    return %c0_i32, %c0_i32_0 : i32, i32
  }
  func.func @transform_3(%arg0: i32) -> (i32, i32) {
    %c0_i32 = arith.constant 0 : i32
    %c0_i32_0 = arith.constant 0 : i32
    %c0_i32_1 = arith.constant 0 : i32
    return %c0_i32, %c0_i32_0 : i32, i32
  }
  func.func @transform_4(%arg0: i32) -> (i32, i32) {
    %c0_i32 = arith.constant 0 : i32
    %c0_i32_0 = arith.constant 0 : i32
    return %arg0, %c0_i32 : i32, i32
  }
  func.func @transform_5(%arg0: i32) -> (i32, i32) {
    %c0_i32 = arith.constant 0 : i32
    %c0_i32_0 = arith.constant 0 : i32
    return %arg0, %c0_i32 : i32, i32
  }
  func.func @transform_6(%arg0: i32) -> (i32, i32) {
    %c0_i32 = arith.constant 0 : i32
    %c0_i32_0 = arith.constant 0 : i32
    return %arg0, %c0_i32 : i32, i32
  }
  func.func @transform_7(%arg0: i32) -> (i32, i32) {
    %c0_i32 = arith.constant 0 : i32
    %c0_i32_0 = arith.constant 0 : i32
    %c0_i32_1 = arith.constant 0 : i32
    return %c0_i32, %c0_i32_0 : i32, i32
  }
  func.func @transform_8(%arg0: i32) -> (i32, i32) {
    %c0_i32 = arith.constant 0 : i32
    %c0_i32_0 = arith.constant 0 : i32
    %c0_i32_1 = arith.constant 0 : i32
    return %c0_i32, %c0_i32_0 : i32, i32
  }
}

module attributes {stable_mosaic.version = 14 : i64} {
  func.func @_finalize_body(%arg0: i32, %arg1: memref<2x1000x144xf32, #tpu.memory_space<vmem>>, %arg2: memref<1000x128xf32, #tpu.memory_space<vmem>>, %arg3: memref<1000x1xf32, #tpu.memory_space<vmem>>, %arg4: memref<1000x1xf32, #tpu.memory_space<vmem>>, %arg5: memref<1x1xf32, #tpu.memory_space<smem>>, %arg6: memref<1x128xf32, #tpu.memory_space<vmem>>, %arg7: memref<1000x128xf32, #tpu.memory_space<vmem>>, %arg8: memref<1x128xf32, #tpu.memory_space<vmem>>, %arg9: memref<1x128xf32, #tpu.memory_space<vmem>>) attributes {dimension_semantics = [#tpu.dimension_semantics<arbitrary>], iteration_bounds = array<i64: 10>, scalar_prefetch = 0 : i64, scratch_operands = 0 : i64, tpu.core_type = #tpu.core_type<tc>, window_params = [{transform_indices = @transform_0, window_bounds = array<i64: 2, 1000, 144>}, {transform_indices = @transform_1, window_bounds = array<i64: 1000, 128>}, {transform_indices = @transform_2, window_bounds = array<i64: 1000, 1>}, {transform_indices = @transform_3, window_bounds = array<i64: 1000, 1>}, {transform_indices = @transform_4, window_bounds = array<i64: 1, 1>}, {pipeline_mode = #tpu.pipeline_mode<synchronous>, transform_indices = @transform_5, window_bounds = array<i64: 1, 128>}, {transform_indices = @transform_6, window_bounds = array<i64: 1000, 128>}, {pipeline_mode = #tpu.pipeline_mode<synchronous>, transform_indices = @transform_7, window_bounds = array<i64: 1, 128>}, {pipeline_mode = #tpu.pipeline_mode<synchronous>, transform_indices = @transform_8, window_bounds = array<i64: 1, 128>}]} {
    %get3A = arith.constant 0 : index
    %get3A_0 = arith.constant 0 : index
    %get3A_1 = memref.load %arg5[%get3A, %get3A_0] : memref<1x1xf32, #tpu.memory_space<smem>>
    %get3A_2 = arith.constant 0 : index
    %get3A_3 = arith.constant 0 : index
    %get3A_4 = arith.constant 0 : index
    %get3A_5 = vector.load %arg1[%get3A_2, %get3A_3, %get3A_4] : memref<2x1000x144xf32, #tpu.memory_space<vmem>>, vector<1x1000x144xf32>
    %get3A_6 = vector.shape_cast %get3A_5 : vector<1x1000x144xf32> to vector<1000x144xf32>
    %get3A_7 = arith.constant 1 : index
    %get3A_8 = arith.constant 0 : index
    %get3A_9 = arith.constant 0 : index
    %get3A_10 = vector.load %arg1[%get3A_7, %get3A_8, %get3A_9] : memref<2x1000x144xf32, #tpu.memory_space<vmem>>, vector<1x1000x144xf32>
    %get3A_11 = vector.shape_cast %get3A_10 : vector<1x1000x144xf32> to vector<1000x144xf32>
    %add3A = arith.addf %get3A_6, %get3A_11 : vector<1000x144xf32>
    %slice3A = vector.extract_strided_slice %add3A {offsets = [0, 0], sizes = [1000, 128], strides = [1, 1]} : vector<1000x144xf32> to vector<1000x128xf32>
    %slice3A_12 = vector.extract_strided_slice %add3A {offsets = [0, 128], sizes = [1000, 1], strides = [1, 1]} : vector<1000x144xf32> to vector<1000x1xf32>
    %get3A_13 = arith.constant 0 : index
    %get3A_14 = arith.constant 0 : index
    %get3A_15 = vector.load %arg3[%get3A_13, %get3A_14] : memref<1000x1xf32, #tpu.memory_space<vmem>>, vector<1000x1xf32>
    %get3A_16 = arith.constant 0 : index
    %get3A_17 = arith.constant 0 : index
    %get3A_18 = vector.load %arg4[%get3A_16, %get3A_17] : memref<1000x1xf32, #tpu.memory_space<vmem>>, vector<1000x1xf32>
    %add3A_19 = arith.addf %get3A_15, %get3A_18 : vector<1000x1xf32>
    %ge3A = arith.constant 0.000000e+00 : f32
    %ge3A_20 = vector.broadcast %ge3A : f32 to vector<1000x1xf32>
    %ge3A_21 = arith.cmpf oge, %add3A_19, %ge3A_20 : vector<1000x1xf32>
    %mul3A = arith.constant 2.000000e-01 : f32
    %mul3A_22 = vector.broadcast %mul3A : f32 to vector<1000x1xf32>
    %mul3A_23 = arith.mulf %mul3A_22, %add3A_19 : vector<1000x1xf32>
    %select_n3A = arith.select %ge3A_21, %add3A_19, %mul3A_23 : vector<1000x1xi1>, vector<1000x1xf32>
    %sub3A = vector.broadcast %get3A_1 : f32 to vector<1000x1xf32>
    %sub3A_24 = arith.subf %select_n3A, %sub3A : vector<1000x1xf32>
    %exp3A = math.exp %sub3A_24 : vector<1000x1xf32>
    %get3A_25 = arith.constant 0 : index
    %get3A_26 = arith.constant 0 : index
    %get3A_27 = vector.load %arg2[%get3A_25, %get3A_26] : memref<1000x128xf32, #tpu.memory_space<vmem>>, vector<1000x128xf32>
    %mul3A_28 = vector.broadcast %exp3A : vector<1000x1xf32> to vector<1000x128xf32>
    %mul3A_29 = arith.mulf %mul3A_28, %get3A_27 : vector<1000x128xf32>
    %add3A_30 = arith.addf %slice3A, %mul3A_29 : vector<1000x128xf32>
    %add3A_31 = arith.addf %slice3A_12, %exp3A : vector<1000x1xf32>
    %add3A_32 = arith.constant 1.000000e-16 : f32
    %add3A_33 = vector.broadcast %add3A_32 : f32 to vector<1000x1xf32>
    %add3A_34 = arith.addf %add3A_31, %add3A_33 : vector<1000x1xf32>
    %div3A = vector.broadcast %add3A_34 : vector<1000x1xf32> to vector<1000x128xf32>
    %div3A_35 = arith.divf %add3A_30, %div3A : vector<1000x128xf32>
    %get3A_36 = arith.constant 0 : index
    %get3A_37 = arith.constant 0 : index
    %get3A_38 = vector.load %arg6[%get3A_36, %get3A_37] : memref<1x128xf32, #tpu.memory_space<vmem>>, vector<1x128xf32>
    %add3A_39 = vector.broadcast %get3A_38 : vector<1x128xf32> to vector<1000x128xf32>
    %add3A_40 = arith.addf %div3A_35, %add3A_39 : vector<1000x128xf32>
    %swap3A = arith.constant 0 : index
    %swap3A_41 = arith.constant 0 : index
    %swap3A_42 = vector.load %arg7[%swap3A, %swap3A_41] : memref<1000x128xf32, #tpu.memory_space<vmem>>, vector<1000x128xf32>
    tpu.vector_store %arg7[%swap3A, %swap3A_41], %add3A_40 {strides = array<i32>} : memref<1000x128xf32, #tpu.memory_space<vmem>>, vector<1000x128xf32>,
    %eq3A = arith.constant 0 : i32
    %eq3A_43 = arith.cmpi eq, %arg0, %eq3A : i32
    %convert_element_type3A = arith.extui %eq3A_43 : i1 to i32
    %cond3A = arith.constant 0 : i32
    %cond3A_44 = arith.cmpi ne, %convert_element_type3A, %cond3A : i32
    scf.if %cond3A_44 {
      %broadcast_in_dim3A_64 = arith.constant 0.000000e+00 : f32
      %broadcast_in_dim3A_65 = vector.broadcast %broadcast_in_dim3A_64 : f32 to vector<1x128xf32>
      %swap3A_66 = arith.constant 0 : index
      %swap3A_67 = arith.constant 0 : index
      %swap3A_68 = vector.load %arg8[%swap3A_66, %swap3A_67] : memref<1x128xf32, #tpu.memory_space<vmem>>, vector<1x128xf32>
      tpu.vector_store %arg8[%swap3A_66, %swap3A_67], %broadcast_in_dim3A_65 {strides = array<i32>} : memref<1x128xf32, #tpu.memory_space<vmem>>, vector<1x128xf32>,
      %broadcast_in_dim3A_69 = arith.constant 0.000000e+00 : f32
      %broadcast_in_dim3A_70 = vector.broadcast %broadcast_in_dim3A_69 : f32 to vector<1x128xf32>
      %swap3A_71 = arith.constant 0 : index
      %swap3A_72 = arith.constant 0 : index
      %swap3A_73 = vector.load %arg9[%swap3A_71, %swap3A_72] : memref<1x128xf32, #tpu.memory_space<vmem>>, vector<1x128xf32>
      tpu.vector_store %arg9[%swap3A_71, %swap3A_72], %broadcast_in_dim3A_70 {strides = array<i32>} : memref<1x128xf32, #tpu.memory_space<vmem>>, vector<1x128xf32>,
    } else {
    }
    %get3A_45 = arith.constant 0 : index
    %get3A_46 = arith.constant 0 : index
    %get3A_47 = vector.load %arg8[%get3A_45, %get3A_46] : memref<1x128xf32, #tpu.memory_space<vmem>>, vector<1x128xf32>
    %reduce_sum3A = arith.constant dense<0.000000e+00> : vector<128xf32>
    %reduce_sum3A_48 = vector.multi_reduction <add>, %add3A_40, %reduce_sum3A [0] : vector<1000x128xf32> to vector<128xf32>
    %broadcast_in_dim3A = vector.shape_cast %reduce_sum3A_48 : vector<128xf32> to vector<1x128xf32>
    %add3A_49 = arith.addf %get3A_47, %broadcast_in_dim3A : vector<1x128xf32>
    %swap3A_50 = arith.constant 0 : index
    %swap3A_51 = arith.constant 0 : index
    %swap3A_52 = vector.load %arg8[%swap3A_50, %swap3A_51] : memref<1x128xf32, #tpu.memory_space<vmem>>, vector<1x128xf32>
    tpu.vector_store %arg8[%swap3A_50, %swap3A_51], %add3A_49 {strides = array<i32>} : memref<1x128xf32, #tpu.memory_space<vmem>>, vector<1x128xf32>,
    %get3A_53 = arith.constant 0 : index
    %get3A_54 = arith.constant 0 : index
    %get3A_55 = vector.load %arg9[%get3A_53, %get3A_54] : memref<1x128xf32, #tpu.memory_space<vmem>>, vector<1x128xf32>
    %mul3A_56 = arith.mulf %add3A_40, %add3A_40 : vector<1000x128xf32>
    %reduce_sum3A_57 = arith.constant dense<0.000000e+00> : vector<128xf32>
    %reduce_sum3A_58 = vector.multi_reduction <add>, %mul3A_56, %reduce_sum3A_57 [0] : vector<1000x128xf32> to vector<128xf32>
    %broadcast_in_dim3A_59 = vector.shape_cast %reduce_sum3A_58 : vector<128xf32> to vector<1x128xf32>
    %add3A_60 = arith.addf %get3A_55, %broadcast_in_dim3A_59 : vector<1x128xf32>
    %swap3A_61 = arith.constant 0 : index
    %swap3A_62 = arith.constant 0 : index
    %swap3A_63 = vector.load %arg9[%swap3A_61, %swap3A_62] : memref<1x128xf32, #tpu.memory_space<vmem>>, vector<1x128xf32>
    tpu.vector_store %arg9[%swap3A_61, %swap3A_62], %add3A_60 {strides = array<i32>} : memref<1x128xf32, #tpu.memory_space<vmem>>, vector<1x128xf32>,
    return
  }
  func.func @transform_0(%arg0: i32) -> (i32, i32, i32) {
    %c0_i32 = arith.constant 0 : i32
    %c0_i32_0 = arith.constant 0 : i32
    %c0_i32_1 = arith.constant 0 : i32
    return %c0_i32, %arg0, %c0_i32_0 : i32, i32, i32
  }
  func.func @transform_1(%arg0: i32) -> (i32, i32) {
    %c0_i32 = arith.constant 0 : i32
    %c0_i32_0 = arith.constant 0 : i32
    return %arg0, %c0_i32 : i32, i32
  }
  func.func @transform_2(%arg0: i32) -> (i32, i32) {
    %c0_i32 = arith.constant 0 : i32
    %c0_i32_0 = arith.constant 0 : i32
    return %arg0, %c0_i32 : i32, i32
  }
  func.func @transform_3(%arg0: i32) -> (i32, i32) {
    %c0_i32 = arith.constant 0 : i32
    %c0_i32_0 = arith.constant 0 : i32
    return %arg0, %c0_i32 : i32, i32
  }
  func.func @transform_4(%arg0: i32) -> (i32, i32) {
    %c0_i32 = arith.constant 0 : i32
    %c0_i32_0 = arith.constant 0 : i32
    %c0_i32_1 = arith.constant 0 : i32
    return %c0_i32, %c0_i32_0 : i32, i32
  }
  func.func @transform_5(%arg0: i32) -> (i32, i32) {
    %c0_i32 = arith.constant 0 : i32
    %c0_i32_0 = arith.constant 0 : i32
    %c0_i32_1 = arith.constant 0 : i32
    return %c0_i32, %c0_i32_0 : i32, i32
  }
  func.func @transform_6(%arg0: i32) -> (i32, i32) {
    %c0_i32 = arith.constant 0 : i32
    %c0_i32_0 = arith.constant 0 : i32
    return %arg0, %c0_i32 : i32, i32
  }
  func.func @transform_7(%arg0: i32) -> (i32, i32) {
    %c0_i32 = arith.constant 0 : i32
    %c0_i32_0 = arith.constant 0 : i32
    %c0_i32_1 = arith.constant 0 : i32
    return %c0_i32, %c0_i32_0 : i32, i32
  }
  func.func @transform_8(%arg0: i32) -> (i32, i32) {
    %c0_i32 = arith.constant 0 : i32
    %c0_i32_0 = arith.constant 0 : i32
    %c0_i32_1 = arith.constant 0 : i32
    return %c0_i32, %c0_i32_0 : i32, i32
  }
}

module attributes {stable_mosaic.version = 14 : i64} {
  func.func @_norm_body(%arg0: i32, %arg1: memref<1000x128xf32, #tpu.memory_space<vmem>>, %arg2: memref<1x128xf32, #tpu.memory_space<vmem>>, %arg3: memref<1x128xf32, #tpu.memory_space<vmem>>, %arg4: memref<1x128xf32, #tpu.memory_space<vmem>>, %arg5: memref<1x128xf32, #tpu.memory_space<vmem>>, %arg6: memref<1000x128xf32, #tpu.memory_space<vmem>>) attributes {dimension_semantics = [#tpu.dimension_semantics<arbitrary>], iteration_bounds = array<i64: 10>, scalar_prefetch = 0 : i64, scratch_operands = 0 : i64, tpu.core_type = #tpu.core_type<tc>, window_params = [{transform_indices = @transform_0, window_bounds = array<i64: 1000, 128>}, {pipeline_mode = #tpu.pipeline_mode<synchronous>, transform_indices = @transform_1, window_bounds = array<i64: 1, 128>}, {pipeline_mode = #tpu.pipeline_mode<synchronous>, transform_indices = @transform_2, window_bounds = array<i64: 1, 128>}, {pipeline_mode = #tpu.pipeline_mode<synchronous>, transform_indices = @transform_3, window_bounds = array<i64: 1, 128>}, {pipeline_mode = #tpu.pipeline_mode<synchronous>, transform_indices = @transform_4, window_bounds = array<i64: 1, 128>}, {transform_indices = @transform_5, window_bounds = array<i64: 1000, 128>}]} {
    %get3A = arith.constant 0 : index
    %get3A_0 = arith.constant 0 : index
    %get3A_1 = vector.load %arg2[%get3A, %get3A_0] : memref<1x128xf32, #tpu.memory_space<vmem>>, vector<1x128xf32>
    %mul3A = arith.constant 9.99999974E-5 : f32
    %mul3A_2 = vector.broadcast %mul3A : f32 to vector<1x128xf32>
    %mul3A_3 = arith.mulf %get3A_1, %mul3A_2 : vector<1x128xf32>
    %get3A_4 = arith.constant 0 : index
    %get3A_5 = arith.constant 0 : index
    %get3A_6 = vector.load %arg3[%get3A_4, %get3A_5] : memref<1x128xf32, #tpu.memory_space<vmem>>, vector<1x128xf32>
    %mul3A_7 = arith.constant 9.99999974E-5 : f32
    %mul3A_8 = vector.broadcast %mul3A_7 : f32 to vector<1x128xf32>
    %mul3A_9 = arith.mulf %get3A_6, %mul3A_8 : vector<1x128xf32>
    %mul3A_10 = arith.mulf %mul3A_3, %mul3A_3 : vector<1x128xf32>
    %sub3A = arith.subf %mul3A_9, %mul3A_10 : vector<1x128xf32>
    %get3A_11 = arith.constant 0 : index
    %get3A_12 = arith.constant 0 : index
    %get3A_13 = vector.load %arg4[%get3A_11, %get3A_12] : memref<1x128xf32, #tpu.memory_space<vmem>>, vector<1x128xf32>
    %add3A = arith.constant 9.99999974E-6 : f32
    %add3A_14 = vector.broadcast %add3A : f32 to vector<1x128xf32>
    %add3A_15 = arith.addf %sub3A, %add3A_14 : vector<1x128xf32>
    %rsqrt3A = math.rsqrt %add3A_15 : vector<1x128xf32>
    %mul3A_16 = arith.mulf %get3A_13, %rsqrt3A : vector<1x128xf32>
    %get3A_17 = arith.constant 0 : index
    %get3A_18 = arith.constant 0 : index
    %get3A_19 = vector.load %arg1[%get3A_17, %get3A_18] : memref<1000x128xf32, #tpu.memory_space<vmem>>, vector<1000x128xf32>
    %sub3A_20 = vector.broadcast %mul3A_3 : vector<1x128xf32> to vector<1000x128xf32>
    %sub3A_21 = arith.subf %get3A_19, %sub3A_20 : vector<1000x128xf32>
    %mul3A_22 = vector.broadcast %mul3A_16 : vector<1x128xf32> to vector<1000x128xf32>
    %mul3A_23 = arith.mulf %sub3A_21, %mul3A_22 : vector<1000x128xf32>
    %get3A_24 = arith.constant 0 : index
    %get3A_25 = arith.constant 0 : index
    %get3A_26 = vector.load %arg5[%get3A_24, %get3A_25] : memref<1x128xf32, #tpu.memory_space<vmem>>, vector<1x128xf32>
    %add3A_27 = vector.broadcast %get3A_26 : vector<1x128xf32> to vector<1000x128xf32>
    %add3A_28 = arith.addf %mul3A_23, %add3A_27 : vector<1000x128xf32>
    %swap3A = arith.constant 0 : index
    %swap3A_29 = arith.constant 0 : index
    %swap3A_30 = vector.load %arg6[%swap3A, %swap3A_29] : memref<1000x128xf32, #tpu.memory_space<vmem>>, vector<1000x128xf32>
    tpu.vector_store %arg6[%swap3A, %swap3A_29], %add3A_28 {strides = array<i32>} : memref<1000x128xf32, #tpu.memory_space<vmem>>, vector<1000x128xf32>,
    return
  }
  func.func @transform_0(%arg0: i32) -> (i32, i32) {
    %c0_i32 = arith.constant 0 : i32
    %c0_i32_0 = arith.constant 0 : i32
    return %arg0, %c0_i32 : i32, i32
  }
  func.func @transform_1(%arg0: i32) -> (i32, i32) {
    %c0_i32 = arith.constant 0 : i32
    %c0_i32_0 = arith.constant 0 : i32
    %c0_i32_1 = arith.constant 0 : i32
    return %c0_i32, %c0_i32_0 : i32, i32
  }
  func.func @transform_2(%arg0: i32) -> (i32, i32) {
    %c0_i32 = arith.constant 0 : i32
    %c0_i32_0 = arith.constant 0 : i32
    %c0_i32_1 = arith.constant 0 : i32
    return %c0_i32, %c0_i32_0 : i32, i32
  }
  func.func @transform_3(%arg0: i32) -> (i32, i32) {
    %c0_i32 = arith.constant 0 : i32
    %c0_i32_0 = arith.constant 0 : i32
    %c0_i32_1 = arith.constant 0 : i32
    return %c0_i32, %c0_i32_0 : i32, i32
  }
  func.func @transform_4(%arg0: i32) -> (i32, i32) {
    %c0_i32 = arith.constant 0 : i32
    %c0_i32_0 = arith.constant 0 : i32
    %c0_i32_1 = arith.constant 0 : i32
    return %c0_i32, %c0_i32_0 : i32, i32
  }
  func.func @transform_5(%arg0: i32) -> (i32, i32) {
    %c0_i32 = arith.constant 0 : i32
    %c0_i32_0 = arith.constant 0 : i32
    return %arg0, %c0_i32 : i32, i32
  }
}

</mosaic_0001>

<sc_bundles>
// kernel: kernel.6.cloned.1.call-start
scs
__scs_entry_jumppad:
0x0: {  	(pc) =	sbr.rel $0x88, $3  }
0x1: {  	(tag) =	ssettag $0x0;
	lr =	simm.s32 $0x1  }
0x2: {  	[smem:$0x3F99] =	sst lr;
	_ =	strace $0xD0000000  }
0x3: {  	_ = 	snop  }
0x4: {  	_ = 	snop  }
0x5: {  	_ = 	snop  }
0x6: {  	_ = 	snop  }
0x7: {  	_ = 	snop  }
__scs_overlays_trampoline_lowered:
0x8: {  	[smem:$0x3FA8] =	sst s0  }
0x9: {  	[smem:$0x3FA9] =	sst s1  }
0xa: {  	[smem:$0x3FAA] =	sst s2  }
0xb: {  	[smem:$0x3FAB] =	sst s3  }
0xc: {  	[smem:$0x3FAC] =	sst s4  }
0xd: {  	[smem:$0x3FAD] =	sst s5  }
0xe: {  	[smem:$0x3FAE] =	sst s6  }
0xf: {  	[smem:$0x3FAF] =	sst s7  }
0x10: {  	[smem:$0x3FB0] =	sst s8  }
0x11: {  	[smem:$0x3FB1] =	sst s9;
	s0 =	simm.s32 @!p0 $0x0  }
0x12: {  	s1 =	sld [smem:$0x3F97];
	s0 =	simm.s32 @p0 $0x1  }
0x13: {  	[smem:$0x3FB2] =	sst s0;
	s0 =	simm.s32 @!p1 $0x0  }
0x14: {  	s2 =	sld [smem:$0x3F96];
	s0 =	simm.s32 @p1 $0x1  }
0x15: {  	[smem:$0x3FB3] =	sst s0;
	s0 =	simm.s32 @!p2 $0x0  }
0x16: {  	s3 =	sld [smem:$0x3FDB];
	s0 =	simm.s32 @p2 $0x1  }
0x17: {  	s4 =	simm.s32 $0x1BF5;
	[smem:$0x3FB5] =	sst s0  }
0x18: {  	s0 =	sld [smem:$0x3F98];
	_ =	swait.ge [sflag:s4], $0x0  }
0x19: {  	s7 =	sld [smem:$0x3F99]  }
0x1a: {  	s8 =	sadd.s32 $0xFFFFE003, lr  }
0x1b: {  	s9 =	sadd.s32 $0xFFFFFEF7, lr;
	s5 =	simm.s32 $0xFFFFFFFF;
	p2 =	slt.u32 s8, $0xFFFFF086  }
0x1c: {  	p1 =	slt.u32 s9, $0xF7A;
	s5 =	simm.s32 @!p2 $0x0  }
0x1d: {  	s5 =	simm.s32 @p1 $0x1;
	p0 =	seq.s32 s7, s2  }
0x1e: {  	s7 =	smul.u32 @!p0 $0xF7A, s2;
	p2 =	seq.s32 @!p0 s5, $0x0  }
0x1f: {  	s9 =	smul.u32 $0xF7A, s1;
	s8 =	simm.s32 @!p0 $0x1BF5;
	p2 =	por !p2, p0  }
0x20: {  	[sflag:s8] =	ssyncset.s32 @!p0 $0xFFFFF086;
	s6 =	sadd.s32 @!p0 s3, s7;
	s7 =	simm.s32 @!p0 $0x108  }
0x21: {  	s3 =	sadd.s32 s3, s9;
	s6 =	sadd.s32 @!p0 $0x88, s6;
	s7 =	simm.s32 @p2 $0x1082  }
0x22: {  	[simem:s7], [sflag:s8] =	dma.local @!p0 [hbm:s6], $0xF7A  }
0x23: {  	s9 =	sor.u32 $0xD0000000, s2;
	s6 =	simm.s32 $0x108;
	_ =	swait.ge @!p0 [sflag:s8], $0x0  }
0x24: {  	s3 =	sadd.s32 $0x88, s3;
	s6 =	simm.s32 @!p1 $0x1082;
	[sflag:s4] =	ssyncset.s32 $0xFFFFF086  }
0x25: {  	[simem:s6], [sflag:s4] =	dma.local [hbm:s3], $0xF7A  }
0x26: {  	[smem:$0x3F99] =	sst s1;
	(tag) =	ssettag s2;
	_ =	strace s9  }
0x27: {  	s1 =	sld [smem:$0x3FA9]  }
0x28: {  	s2 =	sld [smem:$0x3FAA]  }
0x29: {  	s4 =	sld [smem:$0x3FAC]  }
0x2a: {  	p0 =	seq.s32 s5, $0x0;
	s5 =	sld [smem:$0x3FAD]  }
0x2b: {  	s6 =	sld [smem:$0x3FAE]  }
0x2c: {  	s7 =	sld [smem:$0x3FAF]  }
0x2d: {  	s3 =	simm.s32 $0x108;
	s8 =	sld [smem:$0x3FB0]  }
0x2e: {  	s3 =	simm.s32 @!p0 $0x1082;
	s9 =	sld [smem:$0x3FB1]  }
0x2f: {  	lr =	sadd.s32 s0, s3;
	s0 =	sld [smem:$0x3FA8]  }
0x30: {  	s3 =	sld [smem:$0x3FAB]  }
0x31: {  	[smem:$0x3FB4] =	sst s10  }
0x32: {  	s10 =	sld [smem:$0x3FB2];
	_ =	sdelay $0x3  }
0x33: {  	p0 =	seq.s32 s10, $0x1;
	s10 =	sld [smem:$0x3FB4];
	_ =	sdelay $0x3  }
0x34: {  	[smem:$0x3FB4] =	sst s10  }
0x35: {  	s10 =	sld [smem:$0x3FB3];
	_ =	sdelay $0x3  }
0x36: {  	p1 =	seq.s32 s10, $0x1;
	s10 =	sld [smem:$0x3FB4];
	_ =	sdelay $0x3  }
0x37: {  	[smem:$0x3FB4] =	sst s10  }
0x38: {  	s10 =	sld [smem:$0x3FB5]  }
0x39: {  	_ = 	snop;
	(pc) =	sbr.ind lr, $3  }
0x3a: {  	_ = 	snop  }
0x3b: {  	_ = 	snop  }
0x3c: {  	p2 =	seq.s32 s10, $0x1;
	s10 =	sld [smem:$0x3FB4]  }
0x3d: {  	_ =	shalt  }
0x3e: {  	_ =	shalt  }
0x3f: {  	_ =	shalt  }
0x40: {  	_ =	shalt  }
0x41: {  	_ =	shalt  }
0x42: {  	_ =	shalt  }
0x43: {  	_ =	shalt  }
0x44: {  	_ =	shalt  }
0x45: {  	_ =	shalt  }
0x46: {  	_ =	shalt  }
0x47: {  	_ =	shalt  }
0x48: {  	_ =	shalt  }
0x49: {  	_ =	shalt  }
0x4a: {  	_ =	shalt  }
0x4b: {  	_ =	shalt  }
0x4c: {  	_ =	shalt  }
0x4d: {  	_ =	shalt  }
0x4e: {  	_ =	shalt  }
0x4f: {  	_ =	shalt  }
0x50: {  	_ =	shalt  }
0x51: {  	_ =	shalt  }
0x52: {  	_ =	shalt  }
0x53: {  	_ =	shalt  }
0x54: {  	_ =	shalt  }
0x55: {  	_ =	shalt  }
0x56: {  	_ =	shalt  }
0x57: {  	_ =	shalt  }
0x58: {  	_ =	shalt  }
0x59: {  	_ =	shalt  }
0x5a: {  	_ =	shalt  }
0x5b: {  	_ =	shalt  }
0x5c: {  	_ =	shalt  }
0x5d: {  	_ =	shalt  }
0x5e: {  	_ =	shalt  }
0x5f: {  	_ =	shalt  }
0x60: {  	_ =	shalt  }
0x61: {  	_ =	shalt  }
0x62: {  	_ =	shalt  }
0x63: {  	_ =	shalt  }
0x64: {  	_ =	shalt  }
0x65: {  	_ =	shalt  }
0x66: {  	_ =	shalt  }
0x67: {  	_ =	shalt  }
0x68: {  	_ =	shalt  }
0x69: {  	_ =	shalt  }
0x6a: {  	_ =	shalt  }
0x6b: {  	_ =	shalt  }
0x6c: {  	_ =	shalt  }
0x6d: {  	_ =	shalt  }
0x6e: {  	_ =	shalt  }
0x6f: {  	_ =	shalt  }
0x70: {  	_ =	shalt  }
0x71: {  	_ =	shalt  }
0x72: {  	_ =	shalt  }
0x73: {  	_ =	shalt  }
0x74: {  	_ =	shalt  }
0x75: {  	_ =	shalt  }
0x76: {  	_ =	shalt  }
0x77: {  	_ =	shalt  }
0x78: {  	_ =	shalt  }
0x79: {  	_ =	shalt  }
0x7a: {  	_ =	shalt  }
0x7b: {  	_ =	shalt  }
0x7c: {  	_ =	shalt  }
0x7d: {  	_ =	shalt  }
0x7e: {  	_ =	shalt  }
0x7f: {  	_ =	shalt  }
0x80: {  	_ =	shalt  }
0x81: {  	_ =	shalt  }
0x82: {  	_ =	shalt  }
0x83: {  	_ =	shalt  }
0x84: {  	_ =	shalt  }
0x85: {  	_ =	shalt  }
0x86: {  	_ =	shalt  }
0x87: {  	_ =	shalt  }
.Lfunc_end0:
.L_simem_size_0:
called_computation_lowered:
.L_overlay_start_0:
0x88: {  	s2 =	sld [smem:$0x3FD9]  }
0x89: {  	s3 =	sld [smem:$0x3FFE];
	_ =	sdelay $0x1  }
0x8a: {  	s1 =	srdreg.scid  }
0x8b: {  	s0 =	sand.u32 $0x1, s1  }
0x8c: {  	s17 =	sshll.u32 s0, $0xA;
	s2 =	sadd.s32 s3, s2  }
0x8d: {  	s2 =	sadd.s32 s2, s17  }
0x8e: {  	[smem:$0x3FC0] =	sst s2  }
0x8f: {  	_ = 	snop  }
0x90: {  	s2 =	sld [smem:$0x3FD0];
	(tm) =	ssettm $0x1  }
0x91: {  	s18 =	sld [smem:$0x3FFB];
	_ =	sdelay $0x3  }
0x92: {  	_ =	strace s18  }
0x93: {  	s3 =	sld [smem:$0x3FFC];
	_ =	sdelay $0x3  }
0x94: {  	_ =	strace s3  }
0x95: {  	s3 =	sld [smem:$0x3FFD];
	_ =	sdelay $0x3  }
0x96: {  	_ =	strace s3  }
0x97: {  	_ =	strace $0x8FFFFFFF  }
0x98: {  	s19 =	sld [smem:$0x3FDB];
	_ =	sdelay $0x1  }
0x99: {  	s4 =	simm.s32 $_scs_section_size  }
0x9a: {  	s5 =	simm.s32 $_size__tile_overlayer_lowered;
	s6 =	simm.s32 $_tile_overlayer_lowered  }
0x9b: {  	s22 =	simm.s32 $0x1BFF;
	s21 =	sshll.u32 s6, $0x1;
	s3 =	sadd.s32 s4, s19  }
0x9c: {  	s7 =	simm.s32 $0x0;
	s20 =	sshll.u32 s5, $0x1;
	s5 =	sadd.s32 s21, s3  }
0x9d: {  	[timem:s7], [sflag:s22] =	dma.local [hbm:s5], s20  }
0x9e: {  	_ =	swait.ge [sflag:s22], s20  }
0x9f: {  	s4 =	ssub.s32 $0x0, s20;
	[sflag:s22] =	ssyncset.done $0x0  }
0xa0: {  	[sflag:s22] =	ssyncadd.s32 s4;
	_ =	sdelay $0x1  }
0xa1: {  	s23 =	simm.s32 $0x1B8B  }
0xa2: {  	_ =	swait.ge [sflag:s23], $0x1  }
0xa3: {  	[sflag:s23] =	ssyncset.done $0x0  }
0xa4: {  	s25 =	simm.s32 $0x1B8E;
	s24 =	sld [smem:$0x3FFE];
	[sflag:s23] =	ssyncadd.s32 $0xFFFFFFFF  }
0xa5: {  	s26 =	simm.s32 $execute0_lowered;
	[smem:$0x3FD2] =	sst s25  }
0xa6: {  	s5 =	sshll.u32 s26, $0x1;
	_ =	strace $0x80000046;
	[dreg:$0x1] =	wrdreg $0xFFFFFFFF  }
0xa7: {  	s28 =	simm.s32 $_size_execute0_lowered;
	s3 =	sadd.s32 s3, s5;
	[dreg:$0x0] =	wrdreg $0x0  }
0xa8: {  	s5 =	sshll.u32 s28, $0x1;
	[dreg:$0x2] =	wrdreg s3  }
0xa9: {  	[dreg:$0x3] =	wrdreg s5  }
0xaa: {  	[dreg:$0x4] =	wrdreg $0xC0  }
0xab: {  	_ =	task [dreg:s7], $0x5FFFF  }
0xac: {  	[dreg:$0x1] =	wrdreg $0xFFFFFFFF  }
0xad: {  	[dreg:$0x0] =	wrdreg $0x60  }
0xae: {  	[dreg:$0x2] =	wrdreg s24  }
0xaf: {  	[dreg:$0x3] =	wrdreg s2  }
0xb0: {  	[dreg:$0x4] =	wrdreg $0x56B00  }
0xb1: {  	[dreg:$0x5] =	wrdreg $0x59280  }
0xb2: {  	[dreg:$0x6] =	wrdreg $0x5BA00  }
0xb3: {  	[dreg:$0x7] =	wrdreg $0x9  }
0xb4: {  	_ =	task.clear_ibuf [dreg:s7], $0x8FFFF;
	_ =	strace $0x90000046  }
0xb5: {  	s29 =	simm.s32 $0x9;
	_ =	strace $0x80000048  }
0xb6: {  	_ =	swait.ge [sflag:s29], $0x1  }
0xb7: {  	[sflag:s29] =	ssyncadd.s32 $0xFFFFFFFF  }
0xb8: {  	_ =	strace $0x90000048  }
0xb9: {  	_ =	sfence  }
0xba: {  	s30 =	sld [smem:$0x0];
	_ =	sdelay $0x2  }
0xbb: {  	s31 =	sshll.u32 s1, $0xD;
	s1 =	sshrl.u32 s1, $0x2  }
0xbc: {  	s3 =	sand.u32 $0x4000, s31;
	s1 =	sadd.s32 s1, s30  }
0xbd: {  	s0 =	sor.u32 s3, s0;
	s1 =	sshll.u32 s1, $0x11  }
0xbe: {  	s0 =	sor.u32 s1, s0  }
0xbf: {  	s0 =	sadd.s32 $0x8F2B, s0  }
0xc0: {  	[sflag:s0] =	ssyncadd.remote.s32 $0x1  }
0xc1: {  	_ =	sfence.sel $0xFFFF  }
0xc2: {  	[dreg:$0x0] =	wrdreg $0xFFFFFFFF;
	(pc) =	sbr.abs _section_cstart, $3  }
0xc3: {  	[dreg:$0x1] =	wrdreg $0xFFFFFFFF  }
0xc4: {  	_ =	task.clear_ibuf [dreg:s7], $0x2FFFF;
	_ =	strace $0x9FFFFFFF  }
0xc5: {  	(tm) =	ssettm $0x7FFFFFFF  }
tec
execute0_lowered:
.L_overlay_start_1:
0x0: {  	(tag) =	ssettag $0x1  }
0x1: {  	s0 =	rddreg [dreg:$0x0]  }
0x2: {  	s1 =	rddreg [dreg:$0x1]  }
0x3: {  	s2 =	rddreg [dreg:$0x2]  }
0x4: {  	s3 =	rddreg [dreg:$0x3]  }
0x5: {  	s4 =	rddreg [dreg:$0x4]  }
0x6: {  	s5 =	srdreg.scid;
	s13 =	stileid.u32;
	s7 =	simm.s32 $0x0  }
0x7: {  	s28 =	simm.s32 $0x10;
	s29 =	simm.s32 $0x60;
	s30 =	simm.s32 $0x50  }
0x8: {  	s31 =	simm.s32 $0x150;
	s5 =	sand.u32 $0x1, s5;
	s6 =	smul.u32 $0x15F90, s13  }
0x9: {  	[smem:$0x7FF] =	sst s7;
	s7 =	sadd.s32 $0xA400, s0;
	s8 =	sadd.s32 $0x600, s0  }
0xa: {  	s10 =	sadd.s32 $0x14800, s0;
	s17 =	sadd.s32 $0x14E00, s0;
	s11 =	smul.u32 $0x57E40, s13  }
0xb: {  	s12 =	sadd.s32 $0x14400, s0;
	_ =	strace $0x80000047;
	[dreg:$0x6] =	wrdreg s10  }
0xc: {  	s20 =	sshll.u32 s13, $0x1;
	p0 =	sne.s32 s13, $0x0;
	[dreg:$0x7] =	wrdreg s17  }
0xd: {  	s9 =	smul.u32 $0x15F900, s5;
	s18 =	ssub.s32 $0x2, s5;
	[dreg:$0x8] =	wrdreg s12  }
0xe: {  	s5 =	sor.u32 s5, s20;
	s10 =	simm.s32 $0x0;
	s11 =	sshrl.u32 s11, $0x2  }
0xf: {  	s19 =	sshrl.u32 s18, $0x1;
	s12 =	sadd.s32 s6, s4;
	s21 =	sadd.s32 s11, s4  }
0x10: {  	s20 =	smul.u32 $0x2710, s5;
	s5 =	simm.s32 $0x2;
	s22 =	sadd.s32 $0x2D00, s21  }
0x11: {  	s9 =	sadd.s32 s6, s9;
	s23 =	sadd.s32 $0x5A00, s21;
	[dreg:$0x9] =	wrdreg s22  }
0x12: {  	s6 =	simm.s32 $0x100;
	s24 =	sadd.s32 $0x8700, s21;
	[dreg:$0xa] =	wrdreg s23  }
0x13: {  	s9 =	sshrl.u32 s9, $0x3;
	s25 =	sadd.s32 $0xB400, s21;
	[dreg:$0xb] =	wrdreg s24  }
0x14: {  	s26 =	sadd.s32 $0xE100, s21;
	s0 =	sadd.s32 s9, s0;
	[dreg:$0xc] =	wrdreg s25  }
0x15: {  	s9 =	ssub.s32 s18, s19;
	[dreg:$0xd] =	wrdreg s26;
	s18 =	sadd.s32 $0x10E00, s21  }
0x16: {  	s19 =	sadd.s32 $0x13B00, s21;
	s23 =	simm.s32 $0x3;
	s24 =	sshrl.u32 @!p0 s2, $0x3  }
0x17: {  	v0 =	vimm.f32 $0.0e+00;
	vm0 =	vcmask $0x300;
	s25 =	sshrl.u32 @!p0 s3, $0x3;
	s26 =	simm.s32 $0x2950;
	s21 =	sadd.s32 $0x15400, s0  }
0x18: {  	v1 =	vsel vm0, $0x3F800000, v0;
	s22 =	smax.u32 s9, $0x1;
	s0 =	simm.s32 $0xB0;
	s9 =	simm.s32 $0x1  }
.LBB2_1:
0x19: {  	s11 =	simm.s32 $0x0;
	s13 =	rddreg [dreg:$0x8]  }
0x1a: {  	[tilespmem:s11], [sflag:$0x3] =	stream.linear.gather [hbm4b:s13+s11], $0x10, $0x38;
	[tilespmem:$0x1BB30] =	vst v63  }
0x1b: {  	_ =	swait.ge [sflag:s23], $0x10  }
0x1c: {  	[sflag:s23] =	ssyncset.done $0x0  }
0x1d: {  	s11 =	simm.s32 @!p0 $0x1C03;
	s13 =	rddreg [dreg:$0x6];
	[sflag:s23] =	ssyncadd.s32 $0xFFFFFFF0  }
0x1e: {  	v2 =	vld [tilespmem:$0x0];
	[spmem:s24], [sflag:s11] =	dma.local @!p0 [hbm:s13], $0x4E2  }
0x1f: {  	s13 =	simm.s32 @!p0 $0x3  }
0x20: {  	_ =	swait.ge @!p0 [sflag:s13], $0x4E2  }
0x21: {  	[sflag:s13] =	ssyncset.done @!p0 $0x0  }
0x22: {  	s14 =	rddreg [dreg:$0x7];
	[sflag:s13] =	ssyncadd.s32 @!p0 $0xFFFFFB1E  }
0x23: {  	[spmem:s25], [sflag:s11] =	dma.local @!p0 [hbm:s14], $0x4E2  }
0x24: {  	_ =	swait.ge @!p0 [sflag:s13], $0x4E2  }
0x25: {  	[sflag:s13] =	ssyncset.done @!p0 $0x0  }
0x26: {  	s11 =	simm.s32 $0x0;
	[sflag:s13] =	ssyncadd.s32 @!p0 $0xFFFFFB1E;
	s13 =	simm.s32 $0x240  }
.LBB2_2:
0x27: {  	p1 =	sne.s32 s13, $0xB1C0;
	[tilespmem:s11+$0x29D0] =	vst v0  }
0x28: {  	[tilespmem:s11+$0x2950] =	vst v0  }
0x29: {  	[tilespmem:s11+$0x2960] =	vst v0  }
0x2a: {  	[tilespmem:s11+$0x2970] =	vst v0  }
.Ltmp0:
0x2b: {  	[tilespmem:s11+$0x2980] =	vst v0;
	(pc) =	sbr.rel @p1 .LBB2_2-.Ltmp0, $4  }
0x2c: {  	[tilespmem:s11+$0x2990] =	vst v0  }
0x2d: {  	[tilespmem:s11+$0x29A0] =	vst v0  }
0x2e: {  	[tilespmem:s11+$0x29B0] =	vst v0  }
0x2f: {  	[tilespmem:s11+$0x29C0] =	vst v0;
	s11 =	sshra.s32 s13, $0x2;
	s13 =	sadd.s32 $0x240, s13  }
0x30: {  	[tilespmem:s11+$0x29D0] =	vst v0  }
0x31: {  	[tilespmem:s11+$0x2950] =	vst v0  }
0x32: {  	[tilespmem:s11+$0x2960] =	vst v0  }
0x33: {  	[tilespmem:s11+$0x2970] =	vst v0  }
0x34: {  	[tilespmem:s11+$0x2980] =	vst v0  }
0x35: {  	[tilespmem:s11+$0x2990] =	vst v0  }
0x36: {  	[tilespmem:s11+$0x29A0] =	vst v0  }
0x37: {  	[tilespmem:s11+$0x29B0] =	vst v0  }
0x38: {  	[tilespmem:s11+$0x29C0] =	vst v0  }
0x39: {  	[spmem:s12] =	stream.linear.scatter [tilespmem:s26], [sflag:$0x3], $0x2D00, $0x38;
	[tilespmem:$0x1BB30] =	vst v63  }
0x3a: {  	_ =	swait.ge [sflag:s23], $0x2D00  }
0x3b: {  	[sflag:s23] =	ssyncset.done $0x0  }
0x3c: {  	s13 =	rddreg [dreg:$0x9];
	[sflag:s23] =	ssyncadd.s32 $0xFFFFD300  }
0x3d: {  	[spmem:s13] =	stream.linear.scatter [tilespmem:s26], [sflag:$0x3], $0x2D00, $0x38;
	[tilespmem:$0x1BB30] =	vst v63  }
0x3e: {  	_ =	swait.ge [sflag:s23], $0x2D00  }
0x3f: {  	[sflag:s23] =	ssyncset.done $0x0  }
0x40: {  	s14 =	rddreg [dreg:$0xa];
	[sflag:s23] =	ssyncadd.s32 $0xFFFFD300  }
0x41: {  	[spmem:s14] =	stream.linear.scatter [tilespmem:s26], [sflag:$0x3], $0x2D00, $0x38;
	[tilespmem:$0x1BB30] =	vst v63  }
0x42: {  	_ =	swait.ge [sflag:s23], $0x2D00  }
0x43: {  	[sflag:s23] =	ssyncset.done $0x0  }
0x44: {  	s15 =	rddreg [dreg:$0xb];
	[sflag:s23] =	ssyncadd.s32 $0xFFFFD300  }
0x45: {  	[spmem:s15] =	stream.linear.scatter [tilespmem:s26], [sflag:$0x3], $0x2D00, $0x38;
	[tilespmem:$0x1BB30] =	vst v63  }
0x46: {  	_ =	swait.ge [sflag:s23], $0x2D00  }
0x47: {  	[sflag:s23] =	ssyncset.done $0x0  }
0x48: {  	s16 =	rddreg [dreg:$0xc];
	[sflag:s23] =	ssyncadd.s32 $0xFFFFD300  }
0x49: {  	[spmem:s16] =	stream.linear.scatter [tilespmem:s26], [sflag:$0x3], $0x2D00, $0x38;
	[tilespmem:$0x1BB30] =	vst v63  }
0x4a: {  	_ =	swait.ge [sflag:s23], $0x2D00  }
0x4b: {  	[sflag:s23] =	ssyncset.done $0x0  }
0x4c: {  	s17 =	rddreg [dreg:$0xd];
	[sflag:s23] =	ssyncadd.s32 $0xFFFFD300  }
0x4d: {  	[spmem:s17] =	stream.linear.scatter [tilespmem:s26], [sflag:$0x3], $0x2D00, $0x38;
	[tilespmem:$0x1BB30] =	vst v63  }
0x4e: {  	_ =	swait.ge [sflag:s23], $0x2D00  }
0x4f: {  	[sflag:s23] =	ssyncset.done $0x0  }
0x50: {  	[sflag:s23] =	ssyncadd.s32 $0xFFFFD300  }
0x51: {  	[spmem:s18] =	stream.linear.scatter [tilespmem:s26], [sflag:$0x3], $0x2D00, $0x38;
	[tilespmem:$0x1BB30] =	vst v63  }
0x52: {  	_ =	swait.ge [sflag:s23], $0x2D00  }
0x53: {  	[sflag:s23] =	ssyncset.done $0x0  }
0x54: {  	[sflag:s23] =	ssyncadd.s32 $0xFFFFD300  }
0x55: {  	[spmem:s19] =	stream.linear.scatter [tilespmem:s26], [sflag:$0x3], $0x2490, $0x38;
	[tilespmem:$0x1BB30] =	vst v63  }
0x56: {  	_ =	swait.ge [sflag:s23], $0x2490  }
0x57: {  	[sflag:s23] =	ssyncset.done $0x0  }
0x58: {  	[sflag:s23] =	ssyncadd.s32 $0xFFFFDB70  }
0x59: {  	s11 =	simm.s32 $0x0;
	s13 =	simm.s32 $0x0;
	[bflag:$0x0] =	sbarrier.arrive $0xFFFF  }
.LBB2_4:
0x5a: {  	s14 =	smul.u32 $0x50, s13;
	_ =	sdelay $0x1  }
0x5b: {  	s14 =	sadd.s32 s20, s14  }
0x5c: {  	s14 =	sshrl.u32 s14, $0x3  }
0x5d: {  	s15 =	sadd.s32 s7, s14  }
0x5e: {  	[tilespmem:s28], [sflag:$0x3] =	stream.linear.gather [hbm4b:s15+s11], $0x50, $0x38;
	[tilespmem:$0x1BB30] =	vst v63  }
0x5f: {  	_ =	swait.ge [sflag:s23], $0x50  }
0x60: {  	[sflag:s23] =	ssyncset.done $0x0  }
0x61: {  	s14 =	sadd.s32 s8, s14;
	[sflag:s23] =	ssyncadd.s32 $0xFFFFFFB0  }
0x62: {  	[tilespmem:s29], [sflag:$0x3] =	stream.linear.gather [hbm4b:s14+s11], $0x50, $0x38;
	[tilespmem:$0x1BB30] =	vst v63  }
0x63: {  	_ =	swait.ge [sflag:s23], $0x50  }
0x64: {  	[sflag:s23] =	ssyncset.done $0x0  }
0x65: {  	[sflag:s23] =	ssyncadd.s32 $0xFFFFFFB0  }
0x66: {  	[tilespmem:s31], [sflag:$0x1] =	stream.indirect.gather [hbm4b:s1+s30], $0x80, s28, s30, $0xb8;
	[tilespmem:$0x1BB30] =	vst v63  }
0x67: {  	_ = 	snop  }
0x68: {  	[tilespmem:s0], [sflag:$0x2] =	stream.indirect.gather [spmem:s2], $0x1, s28, s30, $0xb8;
	[tilespmem:$0x1BB30] =	vst v63  }
0x69: {  	_ = 	snop  }
0x6a: {  	[tilespmem:s6], [sflag:$0x2] =	stream.indirect.gather [spmem:s3], $0x1, s29, s30, $0xb8;
	[tilespmem:$0x1BB30] =	vst v63  }
0x6b: {  	_ =	swait.ge [sflag:s5], $0x50  }
0x6c: {  	[sflag:s5] =	ssyncset.done $0x0  }
0x6d: {  	[sflag:s5] =	ssyncadd.s32 $0xFFFFFFB0  }
0x6e: {  	_ =	swait.ge [sflag:s5], $0x50  }
0x6f: {  	[sflag:s5] =	ssyncset.done $0x0  }
0x70: {  	[sflag:s5] =	ssyncadd.s32 $0xFFFFFFB0  }
0x71: {  	v3 =	vld [tilespmem:$0xB0]  }
0x72: {  	v4 =	vld [tilespmem:$0x100]  }
0x73: {  	v5 =	vld [tilespmem:$0xC0]  }
0x74: {  	v6 =	vld [tilespmem:$0x110]  }
0x75: {  	v7 =	vld [tilespmem:$0xD0]  }
0x76: {  	v8 =	vld [tilespmem:$0x120]  }
0x77: {  	v9 =	vld [tilespmem:$0xE0]  }
0x78: {  	v10 =	vld [tilespmem:$0x130]  }
0x79: {  	v11 =	vld [tilespmem:$0xF0]  }
0x7a: {  	v52 =	vld [tilespmem:$0x140];
	_ =	sdelay $0x2  }
0x7b: {  	v3 =	vadd.f32 v4, v3  }
0x7c: {  	v51 =	vadd.f32 v6, v5;
	v7 =	vadd.f32 v8, v7  }
0x7d: {  	v9 =	vadd.f32 v10, v9;
	v5 =	vadd.f32 v52, v11  }
0x7e: {  	v53 =	vmul.f32 $2.000000030e-01, v3;
	v54 =	vmul.f32 $2.000000030e-01, v51;
	vm0 =	vge.f32 v3, $0.0e+00  }
0x7f: {  	vm1 =	vge.f32 v51, $0.0e+00;
	v55 =	vmul.f32 $2.000000030e-01, v7;
	vm13 =	vge.f32 v7, $0.0e+00  }
0x80: {  	v56 =	vmul.f32 $2.000000030e-01, v9;
	vm14 =	vge.f32 v9, $0.0e+00;
	v3 =	vsel vm0, v3, v53  }
0x81: {  	v58 =	vmul.f32 $2.000000030e-01, v5;
	v4 =	vsel vm1, v51, v54;
	v3 =	vsub.f32 v3, v2  }
0x82: {  	vm15 =	vge.f32 v5, $0.0e+00;
	v6 =	vsel vm13, v7, v55;
	v4 =	vsub.f32 v4, v2  }
0x83: {  	v57 =	vsel vm14, v9, v56;
	v6 =	vsub.f32 v6, v2;
	v3 =	vmul.f32 $1.442695020e+00, v3  }
0x84: {  	v5 =	vsel vm15, v5, v58;
	v7 =	vsub.f32 v57, v2;
	v4 =	vmul.f32 $1.442695020e+00, v4  }
0x85: {  	v5 =	vsub.f32 v5, v2;
	(erf) = vpow2.f32 v3;
	v3 =	vmul.f32 $1.442695020e+00, v6  }
0x86: {  	v59 =	vmul.f32 $1.442695020e+00, v7;
	(erf) = vpow2.f32 v4  }
0x87: {  	(erf) = vpow2.f32 v3;
	v3 =	vmul.f32 $1.442695020e+00, v5  }
0x88: {  	(erf) = vpow2.f32 v59  }
0x89: {  	(erf) = vpow2.f32 v3;
	_ =	sdelay $0x4  }
0x8a: {  	v3 =	vpop (erf)  }
0x8b: {  	v60 =	vpop (erf);
	[tilespmem:$0x5650] =	vst v3  }
0x8c: {  	v3 =	vpop (erf);
	[tilespmem:$0x5660] =	vst v60  }
0x8d: {  	v61 =	vpop (erf);
	[tilespmem:$0x5670] =	vst v3  }
0x8e: {  	[tilespmem:$0x5680] =	vst v61;
	v3 =	vpop (erf)  }
0x8f: {  	[tilespmem:$0x5690] =	vst v3  }
0x90: {  	_ =	swait.ge [sflag:s9], $0x2800  }
0x91: {  	[sflag:s9] =	ssyncset.done $0x0  }
0x92: {  	s17 =	simm.s32 $0x0;
	[sflag:s9] =	ssyncadd.s32 $0xFFFFD800  }
0x93: {  	s14 =	simm.s32 $0x190;
	v3 =	vld.msk [tilespmem:s17+$0x5650 ss:$0x0], $0xffff  }
0x94: {  	v62 =	vld [tilespmem:s14+$0xFFFFFFC0];
	_ =	sdelay $0x4  }
0x95: {  	v4 =	vmul.f32 v3, v62  }
0x96: {  	s15 =	simm.s32 $0x2990  }
0x97: {  	[tilespmem:s15+$0xFFFFFFC0] =	vst v4  }
0x98: {  	v4 =	vld [tilespmem:s14+$0xFFFFFFD0];
	_ =	sdelay $0x4  }
0x99: {  	v4 =	vmul.f32 v4, v3;
	_ =	sdelay $0x1  }
0x9a: {  	[tilespmem:s15+$0xFFFFFFD0] =	vst v4  }
0x9b: {  	v4 =	vld [tilespmem:s14+$0xFFFFFFE0];
	_ =	sdelay $0x4  }
0x9c: {  	v4 =	vmul.f32 v4, v3;
	_ =	sdelay $0x1  }
0x9d: {  	[tilespmem:s15+$0xFFFFFFE0] =	vst v4  }
0x9e: {  	v4 =	vld [tilespmem:s14+$0xFFFFFFF0];
	_ =	sdelay $0x4  }
0x9f: {  	v4 =	vmul.f32 v4, v3;
	_ =	sdelay $0x1  }
0xa0: {  	[tilespmem:s15+$0xFFFFFFF0] =	vst v4  }
0xa1: {  	v4 =	vld [tilespmem:s14+$0x0];
	_ =	sdelay $0x4  }
0xa2: {  	v4 =	vmul.f32 v4, v3;
	_ =	sdelay $0x1  }
0xa3: {  	[tilespmem:s15+$0x0] =	vst v4  }
0xa4: {  	v4 =	vld [tilespmem:s14+$0x10];
	_ =	sdelay $0x4  }
0xa5: {  	v4 =	vmul.f32 v4, v3;
	_ =	sdelay $0x1  }
0xa6: {  	[tilespmem:s15+$0x10] =	vst v4  }
0xa7: {  	v4 =	vld [tilespmem:s14+$0x20];
	_ =	sdelay $0x4  }
0xa8: {  	v4 =	vmul.f32 v4, v3;
	_ =	sdelay $0x1  }
0xa9: {  	[tilespmem:s15+$0x20] =	vst v4  }
0xaa: {  	v4 =	vld [tilespmem:s14+$0x30];
	_ =	sdelay $0x3  }
0xab: {  	v63 =	vmul.f32 v1, v3  }
0xac: {  	v3 =	vmul.f32 v4, v3  }
0xad: {  	[tilespmem:s15+$0x40] =	vst v63  }
0xae: {  	s16 =	simm.s32 $0x8;
	s17 =	simm.s32 $0x1;
	[tilespmem:s15+$0x30] =	vst v3  }
.LBB2_5:
0xaf: {  	p1 =	sne.s32 s16, $0x13C;
	v3 =	vld.msk [tilespmem:s17+$0x5650 ss:$0x0], $0xffff;
	s14 =	sadd.s32 $0x80, s14  }
0xb0: {  	v4 =	vld [tilespmem:s14+$0xFFFFFFC0];
	_ =	sdelay $0x4  }
0xb1: {  	v5 =	vmul.f32 v1, v3;
	v4 =	vmul.f32 v3, v4  }
0xb2: {  	s15 =	sadd.s32 $0x90, s15  }
0xb3: {  	[tilespmem:s15+$0xFFFFFFC0] =	vst v4  }
0xb4: {  	v4 =	vld [tilespmem:s14+$0xFFFFFFD0];
	_ =	sdelay $0x4  }
0xb5: {  	v4 =	vmul.f32 v4, v3;
	_ =	sdelay $0x1  }
0xb6: {  	[tilespmem:s15+$0xFFFFFFD0] =	vst v4  }
0xb7: {  	v4 =	vld [tilespmem:s14+$0xFFFFFFE0];
	_ =	sdelay $0x4  }
0xb8: {  	v4 =	vmul.f32 v4, v3;
	_ =	sdelay $0x1  }
0xb9: {  	[tilespmem:s15+$0xFFFFFFE0] =	vst v4  }
0xba: {  	v4 =	vld [tilespmem:s14+$0xFFFFFFF0];
	_ =	sdelay $0x4  }
0xbb: {  	v4 =	vmul.f32 v4, v3;
	_ =	sdelay $0x1  }
0xbc: {  	[tilespmem:s15+$0xFFFFFFF0] =	vst v4  }
0xbd: {  	v4 =	vld [tilespmem:s14+$0x0];
	_ =	sdelay $0x4  }
0xbe: {  	v4 =	vmul.f32 v4, v3;
	_ =	sdelay $0x1  }
0xbf: {  	[tilespmem:s15+$0x0] =	vst v4  }
0xc0: {  	v4 =	vld [tilespmem:s14+$0x10];
	_ =	sdelay $0x4  }
0xc1: {  	v4 =	vmul.f32 v4, v3;
	_ =	sdelay $0x1  }
0xc2: {  	[tilespmem:s15+$0x10] =	vst v4  }
0xc3: {  	v4 =	vld [tilespmem:s14+$0x20];
	_ =	sdelay $0x4  }
0xc4: {  	v4 =	vmul.f32 v4, v3;
	_ =	sdelay $0x1  }
0xc5: {  	[tilespmem:s15+$0x20] =	vst v4  }
0xc6: {  	v4 =	vld [tilespmem:s14+$0x30];
	[tilespmem:s15+$0x40] =	vst v5;
	_ =	sdelay $0x2  }
.Ltmp1:
0xc7: {  	(pc) =	sbr.rel @p1 .LBB2_5-.Ltmp1, $3  }
0xc8: {  	_ = 	snop  }
0xc9: {  	v3 =	vmul.f32 v4, v3;
	_ =	sdelay $0x1  }
0xca: {  	s17 =	sshra.s32 s16, $0x2;
	s16 =	sadd.s32 $0x4, s16;
	[tilespmem:s15+$0x30] =	vst v3  }
0xcb: {  	v3 =	vld.msk [tilespmem:s17+$0x5650 ss:$0x0], $0xffff;
	s14 =	sadd.s32 $0x80, s14  }
0xcc: {  	v4 =	vld [tilespmem:s14+$0xFFFFFFC0];
	_ =	sdelay $0x4  }
0xcd: {  	v4 =	vmul.f32 v3, v4  }
0xce: {  	s15 =	sadd.s32 $0x90, s15  }
0xcf: {  	[tilespmem:s15+$0xFFFFFFC0] =	vst v4  }
0xd0: {  	v4 =	vld [tilespmem:s14+$0xFFFFFFD0];
	_ =	sdelay $0x4  }
0xd1: {  	v4 =	vmul.f32 v4, v3;
	_ =	sdelay $0x1  }
0xd2: {  	[tilespmem:s15+$0xFFFFFFD0] =	vst v4  }
0xd3: {  	v4 =	vld [tilespmem:s14+$0xFFFFFFE0];
	_ =	sdelay $0x4  }
0xd4: {  	v4 =	vmul.f32 v4, v3;
	_ =	sdelay $0x1  }
0xd5: {  	[tilespmem:s15+$0xFFFFFFE0] =	vst v4  }
0xd6: {  	v4 =	vld [tilespmem:s14+$0xFFFFFFF0];
	_ =	sdelay $0x4  }
0xd7: {  	v4 =	vmul.f32 v4, v3;
	_ =	sdelay $0x1  }
0xd8: {  	[tilespmem:s15+$0xFFFFFFF0] =	vst v4  }
0xd9: {  	v4 =	vld [tilespmem:s14+$0x0];
	_ =	sdelay $0x4  }
0xda: {  	v4 =	vmul.f32 v4, v3;
	_ =	sdelay $0x1  }
0xdb: {  	[tilespmem:s15+$0x0] =	vst v4  }
0xdc: {  	v4 =	vld [tilespmem:s14+$0x10];
	_ =	sdelay $0x4  }
0xdd: {  	v4 =	vmul.f32 v4, v3;
	_ =	sdelay $0x1  }
0xde: {  	[tilespmem:s15+$0x10] =	vst v4  }
0xdf: {  	v4 =	vld [tilespmem:s14+$0x20];
	_ =	sdelay $0x4  }
0xe0: {  	v4 =	vmul.f32 v4, v3;
	_ =	sdelay $0x1  }
0xe1: {  	[tilespmem:s15+$0x20] =	vst v4  }
0xe2: {  	v4 =	vld [tilespmem:s14+$0x30];
	_ =	sdelay $0x3  }
0xe3: {  	v5 =	vmul.f32 v1, v3  }
0xe4: {  	s13 =	sadd.s32 $0x1, s13;
	v3 =	vmul.f32 v4, v3  }
0xe5: {  	p1 =	sne.s32 s13, $0x7D;
	[tilespmem:s15+$0x40] =	vst v5  }
.Ltmp2:
0xe6: {  	[tilespmem:s15+$0x30] =	vst v3;
	(pc) =	sbr.rel @p1 .LBB2_4-.Ltmp2, $4  }
0xe7: {  	[spmem:s4] =	stream.indirect.scatter.add.f32 [tilespmem:s26], [sflag:$0x3], $0x90, s29, s30, $0xb8;
	[tilespmem:$0x1BB30] =	vst v63  }
0xe8: {  	_ =	swait.ge [sflag:s23], $0x2D00  }
0xe9: {  	[sflag:s23] =	ssyncset.done $0x0  }
0xea: {  	[sflag:s23] =	ssyncadd.s32 $0xFFFFD300  }
0xeb: {  	s11 =	stileid.u32;
	s10 =	sadd.s32 $0x1, s10  }
0xec: {  	[bflag:$0x0] =	sbarrier.arrive $0xFFFF;
	s11 =	sshll.u32 s11, $0x6;
	p1 =	sne.s32 s10, s22  }
.Ltmp3:
0xed: {  	s13 =	sshrl.u32 s12, $0x3;
	s11 =	sor.u32 $0x1C03, s11;
	(pc) =	sbr.rel @p1 .LBB2_1-.Ltmp3, $4  }
0xee: {  	[hbm:s21], [sflag:s11] =	dma.local [spmem:s13], $0x2BF2  }
0xef: {  	_ =	swait.ge [sflag:s23], $0x2BF2  }
0xf0: {  	[sflag:s23] =	ssyncset.done $0x0  }
0xf1: {  	[sflag:s23] =	ssyncadd.s32 $0xFFFFD40E  }
0xf2: {  	_ =	sfence.sel $0x180000  }
0xf3: {  	[bflag:$0x0] =	sbarrier.arrive $0xFFFF  }
0xf4: {  	_ =	strace $0x90000047  }
0xf5: {  	[bflag:$0x2] =	sbarrier.arrive $0xFFFF  }
0xf6: {  	s0 =	rddreg [dreg:$0x5]  }
0xf7: {  	s0 =	sadd.s32 @!p0 $0x100000, s0  }
0xf8: {  	[sflag:s0] =	ssyncadd.tile.s32 @!p0 $0x1;
	_ =	shalt  }
.Lfunc_end2:
_tile_overlayer_lowered:
.L_overlay_start_2:
0xf9: {  	(tag) =	ssettag $0x2  }
0xfa: {  	s0 =	rddreg [dreg:$0x0];
	s2 =	stileid.u32  }
0xfb: {  	s1 =	rddreg [dreg:$0x1];
	p0 =	sne.s32 s2, $0x0  }
0xfc: {  	s3 =	rddreg [dreg:$0x2];
	[bflag:$0x3] =	sbarrier.arrive $0xFFFF;
	s2 =	simm.s32 @!p0 $0x1C03  }
0xfd: {  	[timem:s3], [sflag:s2] =	dma.local @!p0 [hbm:s0], s1  }
0xfe: {  	s0 =	simm.s32 @!p0 $0x3  }
0xff: {  	_ =	swait.ge @!p0 [sflag:s0], s1  }
0x100: {  	s1 =	ssub.s32 @!p0 $0x0, s1;
	[sflag:s0] =	ssyncset.done @!p0 $0x0  }
0x101: {  	[sflag:s0] =	ssyncadd.s32 @!p0 s1  }
0x102: {  	[bflag:$0x3] =	sbarrier.arrive $0xFFFF  }
0x103: {  	_ =	shalt  }

</sc_bundles>
